<compile_context>
chip_gen: v7x
topology: tpu7x:2x2x1
jax: 0.10.2.dev20260603
libtpu: 0.0.44.dev20260713+nightly
codegen_flags: <defaults>
</compile_context>

<pallas_src>
import functools

import jax
import jax.numpy as jnp
from jax import lax
from jax.experimental import pallas as pl
from jax.experimental.pallas import tpu as pltpu
from jax.experimental.pallas import tpu_sc as plsc

B = 16384
T = 50
D = 64
NC = 2
NS = 16
NW = NC * NS
BPW = B // NW
TPW = BPW * T
NQ = T
WIN = 8

_mesh = plsc.VectorSubcoreMesh(core_axis_name="c", subcore_axis_name="s")


@functools.partial(
    pl.kernel,
    mesh=_mesh,
    out_type=jax.ShapeDtypeStruct((B, D), jnp.float32),
    compiler_params=pltpu.CompilerParams(
        use_tc_tiling_on_sc=False, needs_layout_passes=False),
    scratch_types=[
        pltpu.VMEM((TPW,), jnp.int32),
        pltpu.VMEM((NQ, BPW), jnp.int32),
        pltpu.VMEM((BPW, D), jnp.float32),
        pltpu.SemaphoreType.DMA,
    ],
)
def _emb_sum(cb_hbm, idx_hbm, out_hbm, idxf_v, idxtm_v, acc_v, gsem):
    sid = lax.axis_index("s")
    wid = sid * NC + lax.axis_index("c")
    pltpu.sync_copy(idx_hbm.at[wid], idxf_v)

    iota = lax.iota(jnp.int32, 16)

    def build(q):
        for jj in range(BPW // 16):
            pos = iota * T + (q + jj * 16 * T)
            idxtm_v[q, pl.ds(jj * 16, 16)] = plsc.load_gather(idxf_v, [pos])

    def fire(q, add):
        pltpu.async_copy(cb_hbm.at[idxtm_v.at[q]], acc_v, gsem, add=add)

    def drain(q):
        pltpu.make_async_copy(cb_hbm.at[idxtm_v.at[q]], acc_v, gsem).wait()

    build(0)
    fire(0, False)
    drain(0)

    def prologue(q, carry):
        build(q)
        fire(q, True)
        return carry

    lax.fori_loop(1, WIN + 1, prologue, 0)

    def step(q, carry):
        build(q)
        fire(q, True)
        drain(q - WIN)
        return carry

    lax.fori_loop(WIN + 1, NQ, step, 0)
    for j in range(WIN):
        drain(NQ - WIN + j)

    pltpu.sync_copy(acc_v, out_hbm.at[pl.ds(wid * BPW, BPW)])


def kernel(indices, codebook):
    return _emb_sum(codebook, indices.astype(jnp.int32).reshape(NW, TPW))

# --- scband reference (transcript-rebuilt; emitter-appended) ---
"""Pipeline reference for scband-style-embeddings-12850542150591 (READ-ONLY COPY).

The authoritative reference and input builder live on the scoring server;
editing this copy changes nothing except your own understanding.
"""

import jax, jax.numpy as jnp
import numpy as np

BATCH = 16384
N_STYLE_TOKENS = 50
CODEBOOK_SIZE = 100000
EMBED_DIM = 64

def setup_inputs(seed: int = 0) -> dict:
    key = jax.random.key(seed)
    k1, k2 = jax.random.split(key)
    # The torch module samples indices internally via torch.randint; we externalize
    # that randomness as a deterministic int input so the reference is reproducible.
    indices = jax.random.randint(k1, (BATCH, N_STYLE_TOKENS), 0, CODEBOOK_SIZE)
    codebook = jax.random.normal(k2, (CODEBOOK_SIZE, EMBED_DIM), dtype=jnp.float32)
    return {"indices": indices, "codebook": codebook}

def reference(indices, codebook):
    # embeddings = self.codebook(indices) -> gather rows from the codebook table
    embeddings = jnp.take(codebook, indices, axis=0)  # (B, n_style_tokens, embed_dim)
    # return embeddings.sum(dim=1)
    return embeddings.sum(axis=1)  # (B, embed_dim)

if __name__ == "__main__":
    import jax
    _d = setup_inputs()
    print(jax.jit(kernel)(*tuple(_d.values())))

</pallas_src>

<mosaic_0001>
#map = affine_map<(d0, d1) -> (0, 0)>
module attributes {stable_mosaic.version = 14 : i64} {
  func.func @_emb_sum(%arg0: i32, %arg1: i32, %arg2: memref<100000x64xf32, #tpu.memory_space<hbm>>, %arg3: memref<32x25600xi32, #tpu.memory_space<hbm>>, %arg4: memref<16384x64xf32, #tpu.memory_space<hbm>>, %arg5: memref<25600xi32, #tpu.memory_space<vmem>>, %arg6: memref<50x512xi32, #tpu.memory_space<vmem>>, %arg7: memref<512x64xf32, #tpu.memory_space<vmem>>, %arg8: memref<!tpu.dma_semaphore, #tpu.memory_space<semaphore_mem>>) attributes {dimension_semantics = [#tpu.dimension_semantics<core_parallel>, #tpu.dimension_semantics<subcore_parallel>], iteration_bounds = array<i64: 2, 16>, scalar_prefetch = 0 : i64, scratch_operands = 4 : i64, tpu.core_type = #tpu.core_type<sc_vector_subcore>, window_params = [{transform_indices = #map}, {transform_indices = #map}, {transform_indices = #map}]} {
    %mul3A = arith.constant 2 : i32
    %mul3A_0 = arith.muli %arg1, %mul3A : i32
    %add3A = arith.addi %mul3A_0, %arg0 : i32
    "tpu.region"() ({
      %run_scoped3A = tpu.sem_alloc : memref<!tpu.dma_semaphore, #tpu.memory_space<semaphore_mem>>
      %dma_start3A_432 = arith.constant 0 : i32
      %dma_start3A_433 = tpu.memref_slice %arg3[%add3A, %dma_start3A_432] : memref<32x25600xi32, #tpu.memory_space<hbm>> -> memref<1x25600xi32, #tpu.memory_space<hbm>>
      %dma_start3A_434 = tpu.memref_squeeze %dma_start3A_433 : memref<1x25600xi32, #tpu.memory_space<hbm>> -> memref<25600xi32, #tpu.memory_space<hbm>>
      %dma_start3A_435 = arith.constant 0 : i32
      %dma_start3A_436 = tpu.memref_slice %arg3[%add3A, %dma_start3A_435] : memref<32x25600xi32, #tpu.memory_space<hbm>> -> memref<1x25600xi32, #tpu.memory_space<hbm>>
      %dma_start3A_437 = tpu.memref_squeeze %dma_start3A_436 : memref<1x25600xi32, #tpu.memory_space<hbm>> -> memref<25600xi32, #tpu.memory_space<hbm>>
      tpu.enqueue_dma source(%dma_start3A_437 : memref<25600xi32, #tpu.memory_space<hbm>>) target(%arg5 : memref<25600xi32, #tpu.memory_space<vmem>>) target_semaphore(%run_scoped3A : memref<!tpu.dma_semaphore, #tpu.memory_space<semaphore_mem>>)
      %dma_wait3A_438 = arith.constant 0 : i32
      %dma_wait3A_439 = tpu.memref_slice %arg3[%add3A, %dma_wait3A_438] : memref<32x25600xi32, #tpu.memory_space<hbm>> -> memref<1x25600xi32, #tpu.memory_space<hbm>>
      %dma_wait3A_440 = tpu.memref_squeeze %dma_wait3A_439 : memref<1x25600xi32, #tpu.memory_space<hbm>> -> memref<25600xi32, #tpu.memory_space<hbm>>
      %dma_wait3A_441 = arith.constant 0 : i32
      %dma_wait3A_442 = tpu.memref_slice %arg3[%add3A, %dma_wait3A_441] : memref<32x25600xi32, #tpu.memory_space<hbm>> -> memref<1x25600xi32, #tpu.memory_space<hbm>>
      %dma_wait3A_443 = tpu.memref_squeeze %dma_wait3A_442 : memref<1x25600xi32, #tpu.memory_space<hbm>> -> memref<25600xi32, #tpu.memory_space<hbm>>
      tpu.wait_dma2 semaphore(%run_scoped3A : memref<!tpu.dma_semaphore, #tpu.memory_space<semaphore_mem>>) src(%dma_wait3A_443 : memref<25600xi32, #tpu.memory_space<hbm>>) dst(%arg5 : memref<25600xi32, #tpu.memory_space<vmem>>)
      tpu.yield
    }) : () -> ()
    %iota3A = tpu.iota {dimensions = array<i32: 0>} : vector<16xi32>
    %mul3A_1 = arith.constant 50 : i32
    %mul3A_2 = vector.broadcast %mul3A_1 : i32 to vector<16xi32>
    %mul3A_3 = arith.muli %iota3A, %mul3A_2 : vector<16xi32>
    %add3A_4 = arith.constant 0 : i32
    %add3A_5 = vector.broadcast %add3A_4 : i32 to vector<16xi32>
    %add3A_6 = arith.addi %mul3A_3, %add3A_5 : vector<16xi32>
    %gather3A = tpu.vector_load_idx %arg5[%add3A_6] : memref<25600xi32, #tpu.memory_space<vmem>>[vector<16xi32>], vector<16xi32>,
    %swap3A = arith.constant 0 : i32
    %swap3A_7 = arith.index_cast %swap3A : i32 to index
    %swap3A_8 = arith.constant 0 : index
    %swap3A_9 = tpu.vector_load %arg6[%swap3A_7, %swap3A_8] {strides = array<i32>} : memref<50x512xi32, #tpu.memory_space<vmem>>, vector<16xi32>,
    tpu.vector_store %arg6[%swap3A_7, %swap3A_8], %gather3A {strides = array<i32>} : memref<50x512xi32, #tpu.memory_space<vmem>>, vector<16xi32>,
    %mul3A_10 = arith.constant 50 : i32
    %mul3A_11 = vector.broadcast %mul3A_10 : i32 to vector<16xi32>
    %mul3A_12 = arith.muli %iota3A, %mul3A_11 : vector<16xi32>
    %add3A_13 = arith.constant 800 : i32
    %add3A_14 = vector.broadcast %add3A_13 : i32 to vector<16xi32>
    %add3A_15 = arith.addi %mul3A_12, %add3A_14 : vector<16xi32>
    %gather3A_16 = tpu.vector_load_idx %arg5[%add3A_15] : memref<25600xi32, #tpu.memory_space<vmem>>[vector<16xi32>], vector<16xi32>,
    %swap3A_17 = arith.constant 0 : i32
    %swap3A_18 = arith.index_cast %swap3A_17 : i32 to index
    %swap3A_19 = arith.constant 16 : index
    %swap3A_20 = tpu.vector_load %arg6[%swap3A_18, %swap3A_19] {strides = array<i32>} : memref<50x512xi32, #tpu.memory_space<vmem>>, vector<16xi32>,
    tpu.vector_store %arg6[%swap3A_18, %swap3A_19], %gather3A_16 {strides = array<i32>} : memref<50x512xi32, #tpu.memory_space<vmem>>, vector<16xi32>,
    %mul3A_21 = arith.constant 50 : i32
    %mul3A_22 = vector.broadcast %mul3A_21 : i32 to vector<16xi32>
    %mul3A_23 = arith.muli %iota3A, %mul3A_22 : vector<16xi32>
    %add3A_24 = arith.constant 1600 : i32
    %add3A_25 = vector.broadcast %add3A_24 : i32 to vector<16xi32>
    %add3A_26 = arith.addi %mul3A_23, %add3A_25 : vector<16xi32>
    %gather3A_27 = tpu.vector_load_idx %arg5[%add3A_26] : memref<25600xi32, #tpu.memory_space<vmem>>[vector<16xi32>], vector<16xi32>,
    %swap3A_28 = arith.constant 0 : i32
    %swap3A_29 = arith.index_cast %swap3A_28 : i32 to index
    %swap3A_30 = arith.constant 32 : index
    %swap3A_31 = tpu.vector_load %arg6[%swap3A_29, %swap3A_30] {strides = array<i32>} : memref<50x512xi32, #tpu.memory_space<vmem>>, vector<16xi32>,
    tpu.vector_store %arg6[%swap3A_29, %swap3A_30], %gather3A_27 {strides = array<i32>} : memref<50x512xi32, #tpu.memory_space<vmem>>, vector<16xi32>,
    %mul3A_32 = arith.constant 50 : i32
    %mul3A_33 = vector.broadcast %mul3A_32 : i32 to vector<16xi32>
    %mul3A_34 = arith.muli %iota3A, %mul3A_33 : vector<16xi32>
    %add3A_35 = arith.constant 2400 : i32
    %add3A_36 = vector.broadcast %add3A_35 : i32 to vector<16xi32>
    %add3A_37 = arith.addi %mul3A_34, %add3A_36 : vector<16xi32>
    %gather3A_38 = tpu.vector_load_idx %arg5[%add3A_37] : memref<25600xi32, #tpu.memory_space<vmem>>[vector<16xi32>], vector<16xi32>,
    %swap3A_39 = arith.constant 0 : i32
    %swap3A_40 = arith.index_cast %swap3A_39 : i32 to index
    %swap3A_41 = arith.constant 48 : index
    %swap3A_42 = tpu.vector_load %arg6[%swap3A_40, %swap3A_41] {strides = array<i32>} : memref<50x512xi32, #tpu.memory_space<vmem>>, vector<16xi32>,
    tpu.vector_store %arg6[%swap3A_40, %swap3A_41], %gather3A_38 {strides = array<i32>} : memref<50x512xi32, #tpu.memory_space<vmem>>, vector<16xi32>,
    %mul3A_43 = arith.constant 50 : i32
    %mul3A_44 = vector.broadcast %mul3A_43 : i32 to vector<16xi32>
    %mul3A_45 = arith.muli %iota3A, %mul3A_44 : vector<16xi32>
    %add3A_46 = arith.constant 3200 : i32
    %add3A_47 = vector.broadcast %add3A_46 : i32 to vector<16xi32>
    %add3A_48 = arith.addi %mul3A_45, %add3A_47 : vector<16xi32>
    %gather3A_49 = tpu.vector_load_idx %arg5[%add3A_48] : memref<25600xi32, #tpu.memory_space<vmem>>[vector<16xi32>], vector<16xi32>,
    %swap3A_50 = arith.constant 0 : i32
    %swap3A_51 = arith.index_cast %swap3A_50 : i32 to index
    %swap3A_52 = arith.constant 64 : index
    %swap3A_53 = tpu.vector_load %arg6[%swap3A_51, %swap3A_52] {strides = array<i32>} : memref<50x512xi32, #tpu.memory_space<vmem>>, vector<16xi32>,
    tpu.vector_store %arg6[%swap3A_51, %swap3A_52], %gather3A_49 {strides = array<i32>} : memref<50x512xi32, #tpu.memory_space<vmem>>, vector<16xi32>,
    %mul3A_54 = arith.constant 50 : i32
    %mul3A_55 = vector.broadcast %mul3A_54 : i32 to vector<16xi32>
    %mul3A_56 = arith.muli %iota3A, %mul3A_55 : vector<16xi32>
    %add3A_57 = arith.constant 4000 : i32
    %add3A_58 = vector.broadcast %add3A_57 : i32 to vector<16xi32>
    %add3A_59 = arith.addi %mul3A_56, %add3A_58 : vector<16xi32>
    %gather3A_60 = tpu.vector_load_idx %arg5[%add3A_59] : memref<25600xi32, #tpu.memory_space<vmem>>[vector<16xi32>], vector<16xi32>,
    %swap3A_61 = arith.constant 0 : i32
    %swap3A_62 = arith.index_cast %swap3A_61 : i32 to index
    %swap3A_63 = arith.constant 80 : index
    %swap3A_64 = tpu.vector_load %arg6[%swap3A_62, %swap3A_63] {strides = array<i32>} : memref<50x512xi32, #tpu.memory_space<vmem>>, vector<16xi32>,
    tpu.vector_store %arg6[%swap3A_62, %swap3A_63], %gather3A_60 {strides = array<i32>} : memref<50x512xi32, #tpu.memory_space<vmem>>, vector<16xi32>,
    %mul3A_65 = arith.constant 50 : i32
    %mul3A_66 = vector.broadcast %mul3A_65 : i32 to vector<16xi32>
    %mul3A_67 = arith.muli %iota3A, %mul3A_66 : vector<16xi32>
    %add3A_68 = arith.constant 4800 : i32
    %add3A_69 = vector.broadcast %add3A_68 : i32 to vector<16xi32>
    %add3A_70 = arith.addi %mul3A_67, %add3A_69 : vector<16xi32>
    %gather3A_71 = tpu.vector_load_idx %arg5[%add3A_70] : memref<25600xi32, #tpu.memory_space<vmem>>[vector<16xi32>], vector<16xi32>,
    %swap3A_72 = arith.constant 0 : i32
    %swap3A_73 = arith.index_cast %swap3A_72 : i32 to index
    %swap3A_74 = arith.constant 96 : index
    %swap3A_75 = tpu.vector_load %arg6[%swap3A_73, %swap3A_74] {strides = array<i32>} : memref<50x512xi32, #tpu.memory_space<vmem>>, vector<16xi32>,
    tpu.vector_store %arg6[%swap3A_73, %swap3A_74], %gather3A_71 {strides = array<i32>} : memref<50x512xi32, #tpu.memory_space<vmem>>, vector<16xi32>,
    %mul3A_76 = arith.constant 50 : i32
    %mul3A_77 = vector.broadcast %mul3A_76 : i32 to vector<16xi32>
    %mul3A_78 = arith.muli %iota3A, %mul3A_77 : vector<16xi32>
    %add3A_79 = arith.constant 5600 : i32
    %add3A_80 = vector.broadcast %add3A_79 : i32 to vector<16xi32>
    %add3A_81 = arith.addi %mul3A_78, %add3A_80 : vector<16xi32>
    %gather3A_82 = tpu.vector_load_idx %arg5[%add3A_81] : memref<25600xi32, #tpu.memory_space<vmem>>[vector<16xi32>], vector<16xi32>,
    %swap3A_83 = arith.constant 0 : i32
    %swap3A_84 = arith.index_cast %swap3A_83 : i32 to index
    %swap3A_85 = arith.constant 112 : index
    %swap3A_86 = tpu.vector_load %arg6[%swap3A_84, %swap3A_85] {strides = array<i32>} : memref<50x512xi32, #tpu.memory_space<vmem>>, vector<16xi32>,
    tpu.vector_store %arg6[%swap3A_84, %swap3A_85], %gather3A_82 {strides = array<i32>} : memref<50x512xi32, #tpu.memory_space<vmem>>, vector<16xi32>,
    %mul3A_87 = arith.constant 50 : i32
    %mul3A_88 = vector.broadcast %mul3A_87 : i32 to vector<16xi32>
    %mul3A_89 = arith.muli %iota3A, %mul3A_88 : vector<16xi32>
    %add3A_90 = arith.constant 6400 : i32
    %add3A_91 = vector.broadcast %add3A_90 : i32 to vector<16xi32>
    %add3A_92 = arith.addi %mul3A_89, %add3A_91 : vector<16xi32>
    %gather3A_93 = tpu.vector_load_idx %arg5[%add3A_92] : memref<25600xi32, #tpu.memory_space<vmem>>[vector<16xi32>], vector<16xi32>,
    %swap3A_94 = arith.constant 0 : i32
    %swap3A_95 = arith.index_cast %swap3A_94 : i32 to index
    %swap3A_96 = arith.constant 128 : index
    %swap3A_97 = tpu.vector_load %arg6[%swap3A_95, %swap3A_96] {strides = array<i32>} : memref<50x512xi32, #tpu.memory_space<vmem>>, vector<16xi32>,
    tpu.vector_store %arg6[%swap3A_95, %swap3A_96], %gather3A_93 {strides = array<i32>} : memref<50x512xi32, #tpu.memory_space<vmem>>, vector<16xi32>,
    %mul3A_98 = arith.constant 50 : i32
    %mul3A_99 = vector.broadcast %mul3A_98 : i32 to vector<16xi32>
    %mul3A_100 = arith.muli %iota3A, %mul3A_99 : vector<16xi32>
    %add3A_101 = arith.constant 7200 : i32
    %add3A_102 = vector.broadcast %add3A_101 : i32 to vector<16xi32>
    %add3A_103 = arith.addi %mul3A_100, %add3A_102 : vector<16xi32>
    %gather3A_104 = tpu.vector_load_idx %arg5[%add3A_103] : memref<25600xi32, #tpu.memory_space<vmem>>[vector<16xi32>], vector<16xi32>,
    %swap3A_105 = arith.constant 0 : i32
    %swap3A_106 = arith.index_cast %swap3A_105 : i32 to index
    %swap3A_107 = arith.constant 144 : index
    %swap3A_108 = tpu.vector_load %arg6[%swap3A_106, %swap3A_107] {strides = array<i32>} : memref<50x512xi32, #tpu.memory_space<vmem>>, vector<16xi32>,
    tpu.vector_store %arg6[%swap3A_106, %swap3A_107], %gather3A_104 {strides = array<i32>} : memref<50x512xi32, #tpu.memory_space<vmem>>, vector<16xi32>,
    %mul3A_109 = arith.constant 50 : i32
    %mul3A_110 = vector.broadcast %mul3A_109 : i32 to vector<16xi32>
    %mul3A_111 = arith.muli %iota3A, %mul3A_110 : vector<16xi32>
    %add3A_112 = arith.constant 8000 : i32
    %add3A_113 = vector.broadcast %add3A_112 : i32 to vector<16xi32>
    %add3A_114 = arith.addi %mul3A_111, %add3A_113 : vector<16xi32>
    %gather3A_115 = tpu.vector_load_idx %arg5[%add3A_114] : memref<25600xi32, #tpu.memory_space<vmem>>[vector<16xi32>], vector<16xi32>,
    %swap3A_116 = arith.constant 0 : i32
    %swap3A_117 = arith.index_cast %swap3A_116 : i32 to index
    %swap3A_118 = arith.constant 160 : index
    %swap3A_119 = tpu.vector_load %arg6[%swap3A_117, %swap3A_118] {strides = array<i32>} : memref<50x512xi32, #tpu.memory_space<vmem>>, vector<16xi32>,
    tpu.vector_store %arg6[%swap3A_117, %swap3A_118], %gather3A_115 {strides = array<i32>} : memref<50x512xi32, #tpu.memory_space<vmem>>, vector<16xi32>,
    %mul3A_120 = arith.constant 50 : i32
    %mul3A_121 = vector.broadcast %mul3A_120 : i32 to vector<16xi32>
    %mul3A_122 = arith.muli %iota3A, %mul3A_121 : vector<16xi32>
    %add3A_123 = arith.constant 8800 : i32
    %add3A_124 = vector.broadcast %add3A_123 : i32 to vector<16xi32>
    %add3A_125 = arith.addi %mul3A_122, %add3A_124 : vector<16xi32>
    %gather3A_126 = tpu.vector_load_idx %arg5[%add3A_125] : memref<25600xi32, #tpu.memory_space<vmem>>[vector<16xi32>], vector<16xi32>,
    %swap3A_127 = arith.constant 0 : i32
    %swap3A_128 = arith.index_cast %swap3A_127 : i32 to index
    %swap3A_129 = arith.constant 176 : index
    %swap3A_130 = tpu.vector_load %arg6[%swap3A_128, %swap3A_129] {strides = array<i32>} : memref<50x512xi32, #tpu.memory_space<vmem>>, vector<16xi32>,
    tpu.vector_store %arg6[%swap3A_128, %swap3A_129], %gather3A_126 {strides = array<i32>} : memref<50x512xi32, #tpu.memory_space<vmem>>, vector<16xi32>,
    %mul3A_131 = arith.constant 50 : i32
    %mul3A_132 = vector.broadcast %mul3A_131 : i32 to vector<16xi32>
    %mul3A_133 = arith.muli %iota3A, %mul3A_132 : vector<16xi32>
    %add3A_134 = arith.constant 9600 : i32
    %add3A_135 = vector.broadcast %add3A_134 : i32 to vector<16xi32>
    %add3A_136 = arith.addi %mul3A_133, %add3A_135 : vector<16xi32>
    %gather3A_137 = tpu.vector_load_idx %arg5[%add3A_136] : memref<25600xi32, #tpu.memory_space<vmem>>[vector<16xi32>], vector<16xi32>,
    %swap3A_138 = arith.constant 0 : i32
    %swap3A_139 = arith.index_cast %swap3A_138 : i32 to index
    %swap3A_140 = arith.constant 192 : index
    %swap3A_141 = tpu.vector_load %arg6[%swap3A_139, %swap3A_140] {strides = array<i32>} : memref<50x512xi32, #tpu.memory_space<vmem>>, vector<16xi32>,
    tpu.vector_store %arg6[%swap3A_139, %swap3A_140], %gather3A_137 {strides = array<i32>} : memref<50x512xi32, #tpu.memory_space<vmem>>, vector<16xi32>,
    %mul3A_142 = arith.constant 50 : i32
    %mul3A_143 = vector.broadcast %mul3A_142 : i32 to vector<16xi32>
    %mul3A_144 = arith.muli %iota3A, %mul3A_143 : vector<16xi32>
    %add3A_145 = arith.constant 10400 : i32
    %add3A_146 = vector.broadcast %add3A_145 : i32 to vector<16xi32>
    %add3A_147 = arith.addi %mul3A_144, %add3A_146 : vector<16xi32>
    %gather3A_148 = tpu.vector_load_idx %arg5[%add3A_147] : memref<25600xi32, #tpu.memory_space<vmem>>[vector<16xi32>], vector<16xi32>,
    %swap3A_149 = arith.constant 0 : i32
    %swap3A_150 = arith.index_cast %swap3A_149 : i32 to index
    %swap3A_151 = arith.constant 208 : index
    %swap3A_152 = tpu.vector_load %arg6[%swap3A_150, %swap3A_151] {strides = array<i32>} : memref<50x512xi32, #tpu.memory_space<vmem>>, vector<16xi32>,
    tpu.vector_store %arg6[%swap3A_150, %swap3A_151], %gather3A_148 {strides = array<i32>} : memref<50x512xi32, #tpu.memory_space<vmem>>, vector<16xi32>,
    %mul3A_153 = arith.constant 50 : i32
    %mul3A_154 = vector.broadcast %mul3A_153 : i32 to vector<16xi32>
    %mul3A_155 = arith.muli %iota3A, %mul3A_154 : vector<16xi32>
    %add3A_156 = arith.constant 11200 : i32
    %add3A_157 = vector.broadcast %add3A_156 : i32 to vector<16xi32>
    %add3A_158 = arith.addi %mul3A_155, %add3A_157 : vector<16xi32>
    %gather3A_159 = tpu.vector_load_idx %arg5[%add3A_158] : memref<25600xi32, #tpu.memory_space<vmem>>[vector<16xi32>], vector<16xi32>,
    %swap3A_160 = arith.constant 0 : i32
    %swap3A_161 = arith.index_cast %swap3A_160 : i32 to index
    %swap3A_162 = arith.constant 224 : index
    %swap3A_163 = tpu.vector_load %arg6[%swap3A_161, %swap3A_162] {strides = array<i32>} : memref<50x512xi32, #tpu.memory_space<vmem>>, vector<16xi32>,
    tpu.vector_store %arg6[%swap3A_161, %swap3A_162], %gather3A_159 {strides = array<i32>} : memref<50x512xi32, #tpu.memory_space<vmem>>, vector<16xi32>,
    %mul3A_164 = arith.constant 50 : i32
    %mul3A_165 = vector.broadcast %mul3A_164 : i32 to vector<16xi32>
    %mul3A_166 = arith.muli %iota3A, %mul3A_165 : vector<16xi32>
    %add3A_167 = arith.constant 12000 : i32
    %add3A_168 = vector.broadcast %add3A_167 : i32 to vector<16xi32>
    %add3A_169 = arith.addi %mul3A_166, %add3A_168 : vector<16xi32>
    %gather3A_170 = tpu.vector_load_idx %arg5[%add3A_169] : memref<25600xi32, #tpu.memory_space<vmem>>[vector<16xi32>], vector<16xi32>,
    %swap3A_171 = arith.constant 0 : i32
    %swap3A_172 = arith.index_cast %swap3A_171 : i32 to index
    %swap3A_173 = arith.constant 240 : index
    %swap3A_174 = tpu.vector_load %arg6[%swap3A_172, %swap3A_173] {strides = array<i32>} : memref<50x512xi32, #tpu.memory_space<vmem>>, vector<16xi32>,
    tpu.vector_store %arg6[%swap3A_172, %swap3A_173], %gather3A_170 {strides = array<i32>} : memref<50x512xi32, #tpu.memory_space<vmem>>, vector<16xi32>,
    %mul3A_175 = arith.constant 50 : i32
    %mul3A_176 = vector.broadcast %mul3A_175 : i32 to vector<16xi32>
    %mul3A_177 = arith.muli %iota3A, %mul3A_176 : vector<16xi32>
    %add3A_178 = arith.constant 12800 : i32
    %add3A_179 = vector.broadcast %add3A_178 : i32 to vector<16xi32>
    %add3A_180 = arith.addi %mul3A_177, %add3A_179 : vector<16xi32>
    %gather3A_181 = tpu.vector_load_idx %arg5[%add3A_180] : memref<25600xi32, #tpu.memory_space<vmem>>[vector<16xi32>], vector<16xi32>,
    %swap3A_182 = arith.constant 0 : i32
    %swap3A_183 = arith.index_cast %swap3A_182 : i32 to index
    %swap3A_184 = arith.constant 256 : index
    %swap3A_185 = tpu.vector_load %arg6[%swap3A_183, %swap3A_184] {strides = array<i32>} : memref<50x512xi32, #tpu.memory_space<vmem>>, vector<16xi32>,
    tpu.vector_store %arg6[%swap3A_183, %swap3A_184], %gather3A_181 {strides = array<i32>} : memref<50x512xi32, #tpu.memory_space<vmem>>, vector<16xi32>,
    %mul3A_186 = arith.constant 50 : i32
    %mul3A_187 = vector.broadcast %mul3A_186 : i32 to vector<16xi32>
    %mul3A_188 = arith.muli %iota3A, %mul3A_187 : vector<16xi32>
    %add3A_189 = arith.constant 13600 : i32
    %add3A_190 = vector.broadcast %add3A_189 : i32 to vector<16xi32>
    %add3A_191 = arith.addi %mul3A_188, %add3A_190 : vector<16xi32>
    %gather3A_192 = tpu.vector_load_idx %arg5[%add3A_191] : memref<25600xi32, #tpu.memory_space<vmem>>[vector<16xi32>], vector<16xi32>,
    %swap3A_193 = arith.constant 0 : i32
    %swap3A_194 = arith.index_cast %swap3A_193 : i32 to index
    %swap3A_195 = arith.constant 272 : index
    %swap3A_196 = tpu.vector_load %arg6[%swap3A_194, %swap3A_195] {strides = array<i32>} : memref<50x512xi32, #tpu.memory_space<vmem>>, vector<16xi32>,
    tpu.vector_store %arg6[%swap3A_194, %swap3A_195], %gather3A_192 {strides = array<i32>} : memref<50x512xi32, #tpu.memory_space<vmem>>, vector<16xi32>,
    %mul3A_197 = arith.constant 50 : i32
    %mul3A_198 = vector.broadcast %mul3A_197 : i32 to vector<16xi32>
    %mul3A_199 = arith.muli %iota3A, %mul3A_198 : vector<16xi32>
    %add3A_200 = arith.constant 14400 : i32
    %add3A_201 = vector.broadcast %add3A_200 : i32 to vector<16xi32>
    %add3A_202 = arith.addi %mul3A_199, %add3A_201 : vector<16xi32>
    %gather3A_203 = tpu.vector_load_idx %arg5[%add3A_202] : memref<25600xi32, #tpu.memory_space<vmem>>[vector<16xi32>], vector<16xi32>,
    %swap3A_204 = arith.constant 0 : i32
    %swap3A_205 = arith.index_cast %swap3A_204 : i32 to index
    %swap3A_206 = arith.constant 288 : index
    %swap3A_207 = tpu.vector_load %arg6[%swap3A_205, %swap3A_206] {strides = array<i32>} : memref<50x512xi32, #tpu.memory_space<vmem>>, vector<16xi32>,
    tpu.vector_store %arg6[%swap3A_205, %swap3A_206], %gather3A_203 {strides = array<i32>} : memref<50x512xi32, #tpu.memory_space<vmem>>, vector<16xi32>,
    %mul3A_208 = arith.constant 50 : i32
    %mul3A_209 = vector.broadcast %mul3A_208 : i32 to vector<16xi32>
    %mul3A_210 = arith.muli %iota3A, %mul3A_209 : vector<16xi32>
    %add3A_211 = arith.constant 15200 : i32
    %add3A_212 = vector.broadcast %add3A_211 : i32 to vector<16xi32>
    %add3A_213 = arith.addi %mul3A_210, %add3A_212 : vector<16xi32>
    %gather3A_214 = tpu.vector_load_idx %arg5[%add3A_213] : memref<25600xi32, #tpu.memory_space<vmem>>[vector<16xi32>], vector<16xi32>,
    %swap3A_215 = arith.constant 0 : i32
    %swap3A_216 = arith.index_cast %swap3A_215 : i32 to index
    %swap3A_217 = arith.constant 304 : index
    %swap3A_218 = tpu.vector_load %arg6[%swap3A_216, %swap3A_217] {strides = array<i32>} : memref<50x512xi32, #tpu.memory_space<vmem>>, vector<16xi32>,
    tpu.vector_store %arg6[%swap3A_216, %swap3A_217], %gather3A_214 {strides = array<i32>} : memref<50x512xi32, #tpu.memory_space<vmem>>, vector<16xi32>,
    %mul3A_219 = arith.constant 50 : i32
    %mul3A_220 = vector.broadcast %mul3A_219 : i32 to vector<16xi32>
    %mul3A_221 = arith.muli %iota3A, %mul3A_220 : vector<16xi32>
    %add3A_222 = arith.constant 16000 : i32
    %add3A_223 = vector.broadcast %add3A_222 : i32 to vector<16xi32>
    %add3A_224 = arith.addi %mul3A_221, %add3A_223 : vector<16xi32>
    %gather3A_225 = tpu.vector_load_idx %arg5[%add3A_224] : memref<25600xi32, #tpu.memory_space<vmem>>[vector<16xi32>], vector<16xi32>,
    %swap3A_226 = arith.constant 0 : i32
    %swap3A_227 = arith.index_cast %swap3A_226 : i32 to index
    %swap3A_228 = arith.constant 320 : index
    %swap3A_229 = tpu.vector_load %arg6[%swap3A_227, %swap3A_228] {strides = array<i32>} : memref<50x512xi32, #tpu.memory_space<vmem>>, vector<16xi32>,
    tpu.vector_store %arg6[%swap3A_227, %swap3A_228], %gather3A_225 {strides = array<i32>} : memref<50x512xi32, #tpu.memory_space<vmem>>, vector<16xi32>,
    %mul3A_230 = arith.constant 50 : i32
    %mul3A_231 = vector.broadcast %mul3A_230 : i32 to vector<16xi32>
    %mul3A_232 = arith.muli %iota3A, %mul3A_231 : vector<16xi32>
    %add3A_233 = arith.constant 16800 : i32
    %add3A_234 = vector.broadcast %add3A_233 : i32 to vector<16xi32>
    %add3A_235 = arith.addi %mul3A_232, %add3A_234 : vector<16xi32>
    %gather3A_236 = tpu.vector_load_idx %arg5[%add3A_235] : memref<25600xi32, #tpu.memory_space<vmem>>[vector<16xi32>], vector<16xi32>,
    %swap3A_237 = arith.constant 0 : i32
    %swap3A_238 = arith.index_cast %swap3A_237 : i32 to index
    %swap3A_239 = arith.constant 336 : index
    %swap3A_240 = tpu.vector_load %arg6[%swap3A_238, %swap3A_239] {strides = array<i32>} : memref<50x512xi32, #tpu.memory_space<vmem>>, vector<16xi32>,
    tpu.vector_store %arg6[%swap3A_238, %swap3A_239], %gather3A_236 {strides = array<i32>} : memref<50x512xi32, #tpu.memory_space<vmem>>, vector<16xi32>,
    %mul3A_241 = arith.constant 50 : i32
    %mul3A_242 = vector.broadcast %mul3A_241 : i32 to vector<16xi32>
    %mul3A_243 = arith.muli %iota3A, %mul3A_242 : vector<16xi32>
    %add3A_244 = arith.constant 17600 : i32
    %add3A_245 = vector.broadcast %add3A_244 : i32 to vector<16xi32>
    %add3A_246 = arith.addi %mul3A_243, %add3A_245 : vector<16xi32>
    %gather3A_247 = tpu.vector_load_idx %arg5[%add3A_246] : memref<25600xi32, #tpu.memory_space<vmem>>[vector<16xi32>], vector<16xi32>,
    %swap3A_248 = arith.constant 0 : i32
    %swap3A_249 = arith.index_cast %swap3A_248 : i32 to index
    %swap3A_250 = arith.constant 352 : index
    %swap3A_251 = tpu.vector_load %arg6[%swap3A_249, %swap3A_250] {strides = array<i32>} : memref<50x512xi32, #tpu.memory_space<vmem>>, vector<16xi32>,
    tpu.vector_store %arg6[%swap3A_249, %swap3A_250], %gather3A_247 {strides = array<i32>} : memref<50x512xi32, #tpu.memory_space<vmem>>, vector<16xi32>,
    %mul3A_252 = arith.constant 50 : i32
    %mul3A_253 = vector.broadcast %mul3A_252 : i32 to vector<16xi32>
    %mul3A_254 = arith.muli %iota3A, %mul3A_253 : vector<16xi32>
    %add3A_255 = arith.constant 18400 : i32
    %add3A_256 = vector.broadcast %add3A_255 : i32 to vector<16xi32>
    %add3A_257 = arith.addi %mul3A_254, %add3A_256 : vector<16xi32>
    %gather3A_258 = tpu.vector_load_idx %arg5[%add3A_257] : memref<25600xi32, #tpu.memory_space<vmem>>[vector<16xi32>], vector<16xi32>,
    %swap3A_259 = arith.constant 0 : i32
    %swap3A_260 = arith.index_cast %swap3A_259 : i32 to index
    %swap3A_261 = arith.constant 368 : index
    %swap3A_262 = tpu.vector_load %arg6[%swap3A_260, %swap3A_261] {strides = array<i32>} : memref<50x512xi32, #tpu.memory_space<vmem>>, vector<16xi32>,
    tpu.vector_store %arg6[%swap3A_260, %swap3A_261], %gather3A_258 {strides = array<i32>} : memref<50x512xi32, #tpu.memory_space<vmem>>, vector<16xi32>,
    %mul3A_263 = arith.constant 50 : i32
    %mul3A_264 = vector.broadcast %mul3A_263 : i32 to vector<16xi32>
    %mul3A_265 = arith.muli %iota3A, %mul3A_264 : vector<16xi32>
    %add3A_266 = arith.constant 19200 : i32
    %add3A_267 = vector.broadcast %add3A_266 : i32 to vector<16xi32>
    %add3A_268 = arith.addi %mul3A_265, %add3A_267 : vector<16xi32>
    %gather3A_269 = tpu.vector_load_idx %arg5[%add3A_268] : memref<25600xi32, #tpu.memory_space<vmem>>[vector<16xi32>], vector<16xi32>,
    %swap3A_270 = arith.constant 0 : i32
    %swap3A_271 = arith.index_cast %swap3A_270 : i32 to index
    %swap3A_272 = arith.constant 384 : index
    %swap3A_273 = tpu.vector_load %arg6[%swap3A_271, %swap3A_272] {strides = array<i32>} : memref<50x512xi32, #tpu.memory_space<vmem>>, vector<16xi32>,
    tpu.vector_store %arg6[%swap3A_271, %swap3A_272], %gather3A_269 {strides = array<i32>} : memref<50x512xi32, #tpu.memory_space<vmem>>, vector<16xi32>,
    %mul3A_274 = arith.constant 50 : i32
    %mul3A_275 = vector.broadcast %mul3A_274 : i32 to vector<16xi32>
    %mul3A_276 = arith.muli %iota3A, %mul3A_275 : vector<16xi32>
    %add3A_277 = arith.constant 20000 : i32
    %add3A_278 = vector.broadcast %add3A_277 : i32 to vector<16xi32>
    %add3A_279 = arith.addi %mul3A_276, %add3A_278 : vector<16xi32>
    %gather3A_280 = tpu.vector_load_idx %arg5[%add3A_279] : memref<25600xi32, #tpu.memory_space<vmem>>[vector<16xi32>], vector<16xi32>,
    %swap3A_281 = arith.constant 0 : i32
    %swap3A_282 = arith.index_cast %swap3A_281 : i32 to index
    %swap3A_283 = arith.constant 400 : index
    %swap3A_284 = tpu.vector_load %arg6[%swap3A_282, %swap3A_283] {strides = array<i32>} : memref<50x512xi32, #tpu.memory_space<vmem>>, vector<16xi32>,
    tpu.vector_store %arg6[%swap3A_282, %swap3A_283], %gather3A_280 {strides = array<i32>} : memref<50x512xi32, #tpu.memory_space<vmem>>, vector<16xi32>,
    %mul3A_285 = arith.constant 50 : i32
    %mul3A_286 = vector.broadcast %mul3A_285 : i32 to vector<16xi32>
    %mul3A_287 = arith.muli %iota3A, %mul3A_286 : vector<16xi32>
    %add3A_288 = arith.constant 20800 : i32
    %add3A_289 = vector.broadcast %add3A_288 : i32 to vector<16xi32>
    %add3A_290 = arith.addi %mul3A_287, %add3A_289 : vector<16xi32>
    %gather3A_291 = tpu.vector_load_idx %arg5[%add3A_290] : memref<25600xi32, #tpu.memory_space<vmem>>[vector<16xi32>], vector<16xi32>,
    %swap3A_292 = arith.constant 0 : i32
    %swap3A_293 = arith.index_cast %swap3A_292 : i32 to index
    %swap3A_294 = arith.constant 416 : index
    %swap3A_295 = tpu.vector_load %arg6[%swap3A_293, %swap3A_294] {strides = array<i32>} : memref<50x512xi32, #tpu.memory_space<vmem>>, vector<16xi32>,
    tpu.vector_store %arg6[%swap3A_293, %swap3A_294], %gather3A_291 {strides = array<i32>} : memref<50x512xi32, #tpu.memory_space<vmem>>, vector<16xi32>,
    %mul3A_296 = arith.constant 50 : i32
    %mul3A_297 = vector.broadcast %mul3A_296 : i32 to vector<16xi32>
    %mul3A_298 = arith.muli %iota3A, %mul3A_297 : vector<16xi32>
    %add3A_299 = arith.constant 21600 : i32
    %add3A_300 = vector.broadcast %add3A_299 : i32 to vector<16xi32>
    %add3A_301 = arith.addi %mul3A_298, %add3A_300 : vector<16xi32>
    %gather3A_302 = tpu.vector_load_idx %arg5[%add3A_301] : memref<25600xi32, #tpu.memory_space<vmem>>[vector<16xi32>], vector<16xi32>,
    %swap3A_303 = arith.constant 0 : i32
    %swap3A_304 = arith.index_cast %swap3A_303 : i32 to index
    %swap3A_305 = arith.constant 432 : index
    %swap3A_306 = tpu.vector_load %arg6[%swap3A_304, %swap3A_305] {strides = array<i32>} : memref<50x512xi32, #tpu.memory_space<vmem>>, vector<16xi32>,
    tpu.vector_store %arg6[%swap3A_304, %swap3A_305], %gather3A_302 {strides = array<i32>} : memref<50x512xi32, #tpu.memory_space<vmem>>, vector<16xi32>,
    %mul3A_307 = arith.constant 50 : i32
    %mul3A_308 = vector.broadcast %mul3A_307 : i32 to vector<16xi32>
    %mul3A_309 = arith.muli %iota3A, %mul3A_308 : vector<16xi32>
    %add3A_310 = arith.constant 22400 : i32
    %add3A_311 = vector.broadcast %add3A_310 : i32 to vector<16xi32>
    %add3A_312 = arith.addi %mul3A_309, %add3A_311 : vector<16xi32>
    %gather3A_313 = tpu.vector_load_idx %arg5[%add3A_312] : memref<25600xi32, #tpu.memory_space<vmem>>[vector<16xi32>], vector<16xi32>,
    %swap3A_314 = arith.constant 0 : i32
    %swap3A_315 = arith.index_cast %swap3A_314 : i32 to index
    %swap3A_316 = arith.constant 448 : index
    %swap3A_317 = tpu.vector_load %arg6[%swap3A_315, %swap3A_316] {strides = array<i32>} : memref<50x512xi32, #tpu.memory_space<vmem>>, vector<16xi32>,
    tpu.vector_store %arg6[%swap3A_315, %swap3A_316], %gather3A_313 {strides = array<i32>} : memref<50x512xi32, #tpu.memory_space<vmem>>, vector<16xi32>,
    %mul3A_318 = arith.constant 50 : i32
    %mul3A_319 = vector.broadcast %mul3A_318 : i32 to vector<16xi32>
    %mul3A_320 = arith.muli %iota3A, %mul3A_319 : vector<16xi32>
    %add3A_321 = arith.constant 23200 : i32
    %add3A_322 = vector.broadcast %add3A_321 : i32 to vector<16xi32>
    %add3A_323 = arith.addi %mul3A_320, %add3A_322 : vector<16xi32>
    %gather3A_324 = tpu.vector_load_idx %arg5[%add3A_323] : memref<25600xi32, #tpu.memory_space<vmem>>[vector<16xi32>], vector<16xi32>,
    %swap3A_325 = arith.constant 0 : i32
    %swap3A_326 = arith.index_cast %swap3A_325 : i32 to index
    %swap3A_327 = arith.constant 464 : index
    %swap3A_328 = tpu.vector_load %arg6[%swap3A_326, %swap3A_327] {strides = array<i32>} : memref<50x512xi32, #tpu.memory_space<vmem>>, vector<16xi32>,
    tpu.vector_store %arg6[%swap3A_326, %swap3A_327], %gather3A_324 {strides = array<i32>} : memref<50x512xi32, #tpu.memory_space<vmem>>, vector<16xi32>,
    %mul3A_329 = arith.constant 50 : i32
    %mul3A_330 = vector.broadcast %mul3A_329 : i32 to vector<16xi32>
    %mul3A_331 = arith.muli %iota3A, %mul3A_330 : vector<16xi32>
    %add3A_332 = arith.constant 24000 : i32
    %add3A_333 = vector.broadcast %add3A_332 : i32 to vector<16xi32>
    %add3A_334 = arith.addi %mul3A_331, %add3A_333 : vector<16xi32>
    %gather3A_335 = tpu.vector_load_idx %arg5[%add3A_334] : memref<25600xi32, #tpu.memory_space<vmem>>[vector<16xi32>], vector<16xi32>,
    %swap3A_336 = arith.constant 0 : i32
    %swap3A_337 = arith.index_cast %swap3A_336 : i32 to index
    %swap3A_338 = arith.constant 480 : index
    %swap3A_339 = tpu.vector_load %arg6[%swap3A_337, %swap3A_338] {strides = array<i32>} : memref<50x512xi32, #tpu.memory_space<vmem>>, vector<16xi32>,
    tpu.vector_store %arg6[%swap3A_337, %swap3A_338], %gather3A_335 {strides = array<i32>} : memref<50x512xi32, #tpu.memory_space<vmem>>, vector<16xi32>,
    %mul3A_340 = arith.constant 50 : i32
    %mul3A_341 = vector.broadcast %mul3A_340 : i32 to vector<16xi32>
    %mul3A_342 = arith.muli %iota3A, %mul3A_341 : vector<16xi32>
    %add3A_343 = arith.constant 24800 : i32
    %add3A_344 = vector.broadcast %add3A_343 : i32 to vector<16xi32>
    %add3A_345 = arith.addi %mul3A_342, %add3A_344 : vector<16xi32>
    %gather3A_346 = tpu.vector_load_idx %arg5[%add3A_345] : memref<25600xi32, #tpu.memory_space<vmem>>[vector<16xi32>], vector<16xi32>,
    %swap3A_347 = arith.constant 0 : i32
    %swap3A_348 = arith.index_cast %swap3A_347 : i32 to index
    %swap3A_349 = arith.constant 496 : index
    %swap3A_350 = tpu.vector_load %arg6[%swap3A_348, %swap3A_349] {strides = array<i32>} : memref<50x512xi32, #tpu.memory_space<vmem>>, vector<16xi32>,
    tpu.vector_store %arg6[%swap3A_348, %swap3A_349], %gather3A_346 {strides = array<i32>} : memref<50x512xi32, #tpu.memory_space<vmem>>, vector<16xi32>,
    %dma_start3A = arith.constant 0 : i32
    %dma_start3A_351 = arith.constant 0 : i32
    %dma_start3A_352 = tpu.memref_slice %arg6[%dma_start3A, %dma_start3A_351] : memref<50x512xi32, #tpu.memory_space<vmem>> -> memref<1x512xi32, #tpu.memory_space<vmem>>
    %dma_start3A_353 = tpu.memref_squeeze %dma_start3A_352 : memref<1x512xi32, #tpu.memory_space<vmem>> -> memref<512xi32, #tpu.memory_space<vmem>>
    %dma_start3A_354 = arith.constant 0 : i32
    %dma_start3A_355 = arith.constant 0 : i32
    %dma_start3A_356 = tpu.memref_slice %arg2[%dma_start3A_354, %dma_start3A_355] : memref<100000x64xf32, #tpu.memory_space<hbm>> -> memref<100000x64xf32, #tpu.memory_space<hbm>>
    tpu.enqueue_indirect_dma source(%dma_start3A_356 : memref<100000x64xf32, #tpu.memory_space<hbm>>) target(%arg7 : memref<512x64xf32, #tpu.memory_space<vmem>>) offsets(%dma_start3A_353 : memref<512xi32, #tpu.memory_space<vmem>>) semaphore(%arg8 : memref<!tpu.dma_semaphore, #tpu.memory_space<semaphore_mem>>)
    %dma_wait3A = arith.constant 0 : i32
    %dma_wait3A_357 = arith.constant 0 : i32
    %dma_wait3A_358 = tpu.memref_slice %arg6[%dma_wait3A, %dma_wait3A_357] : memref<50x512xi32, #tpu.memory_space<vmem>> -> memref<1x512xi32, #tpu.memory_space<vmem>>
    %dma_wait3A_359 = tpu.memref_squeeze %dma_wait3A_358 : memref<1x512xi32, #tpu.memory_space<vmem>> -> memref<512xi32, #tpu.memory_space<vmem>>
    %dma_wait3A_360 = arith.constant 0 : i32
    %dma_wait3A_361 = arith.constant 0 : i32
    %dma_wait3A_362 = tpu.memref_slice %arg2[%dma_wait3A_360, %dma_wait3A_361] : memref<100000x64xf32, #tpu.memory_space<hbm>> -> memref<100000x64xf32, #tpu.memory_space<hbm>>
    tpu.wait_indirect_dma semaphore(%arg8 : memref<!tpu.dma_semaphore, #tpu.memory_space<semaphore_mem>>) src(%dma_wait3A_362 : memref<100000x64xf32, #tpu.memory_space<hbm>>) dst(%arg7 : memref<512x64xf32, #tpu.memory_space<vmem>>)
    %scan3A = arith.constant 0 : i32
    %scan3A_363 = arith.constant 1 : i32
    %scan3A_364 = arith.constant 8 : i32
    %scan3A_365 = arith.addi %scan3A_363, %scan3A_364 : i32
    %scan3A_366 = arith.constant 1 : i32
    scf.for %scan3A_432 = %scan3A_363 to %scan3A_365 step %scan3A_366  : i32 {
      %mul3A_433 = arith.constant 50 : i32
      %mul3A_434 = vector.broadcast %mul3A_433 : i32 to vector<16xi32>
      %mul3A_435 = arith.muli %iota3A, %mul3A_434 : vector<16xi32>
      %add3A_436 = arith.constant 0 : i32
      %add3A_437 = arith.addi %scan3A_432, %add3A_436 : i32
      %add3A_438 = vector.broadcast %add3A_437 : i32 to vector<16xi32>
      %add3A_439 = arith.addi %mul3A_435, %add3A_438 : vector<16xi32>
      %gather3A_440 = tpu.vector_load_idx %arg5[%add3A_439] : memref<25600xi32, #tpu.memory_space<vmem>>[vector<16xi32>], vector<16xi32>,
      %swap3A_441 = arith.index_cast %scan3A_432 : i32 to index
      %swap3A_442 = arith.constant 0 : index
      %swap3A_443 = tpu.vector_load %arg6[%swap3A_441, %swap3A_442] {strides = array<i32>} : memref<50x512xi32, #tpu.memory_space<vmem>>, vector<16xi32>,
      tpu.vector_store %arg6[%swap3A_441, %swap3A_442], %gather3A_440 {strides = array<i32>} : memref<50x512xi32, #tpu.memory_space<vmem>>, vector<16xi32>,
      %mul3A_444 = arith.constant 50 : i32
      %mul3A_445 = vector.broadcast %mul3A_444 : i32 to vector<16xi32>
      %mul3A_446 = arith.muli %iota3A, %mul3A_445 : vector<16xi32>
      %add3A_447 = arith.constant 800 : i32
      %add3A_448 = arith.addi %scan3A_432, %add3A_447 : i32
      %add3A_449 = vector.broadcast %add3A_448 : i32 to vector<16xi32>
      %add3A_450 = arith.addi %mul3A_446, %add3A_449 : vector<16xi32>
      %gather3A_451 = tpu.vector_load_idx %arg5[%add3A_450] : memref<25600xi32, #tpu.memory_space<vmem>>[vector<16xi32>], vector<16xi32>,
      %swap3A_452 = arith.index_cast %scan3A_432 : i32 to index
      %swap3A_453 = arith.constant 16 : index
      %swap3A_454 = tpu.vector_load %arg6[%swap3A_452, %swap3A_453] {strides = array<i32>} : memref<50x512xi32, #tpu.memory_space<vmem>>, vector<16xi32>,
      tpu.vector_store %arg6[%swap3A_452, %swap3A_453], %gather3A_451 {strides = array<i32>} : memref<50x512xi32, #tpu.memory_space<vmem>>, vector<16xi32>,
      %mul3A_455 = arith.constant 50 : i32
      %mul3A_456 = vector.broadcast %mul3A_455 : i32 to vector<16xi32>
      %mul3A_457 = arith.muli %iota3A, %mul3A_456 : vector<16xi32>
      %add3A_458 = arith.constant 1600 : i32
      %add3A_459 = arith.addi %scan3A_432, %add3A_458 : i32
      %add3A_460 = vector.broadcast %add3A_459 : i32 to vector<16xi32>
      %add3A_461 = arith.addi %mul3A_457, %add3A_460 : vector<16xi32>
      %gather3A_462 = tpu.vector_load_idx %arg5[%add3A_461] : memref<25600xi32, #tpu.memory_space<vmem>>[vector<16xi32>], vector<16xi32>,
      %swap3A_463 = arith.index_cast %scan3A_432 : i32 to index
      %swap3A_464 = arith.constant 32 : index
      %swap3A_465 = tpu.vector_load %arg6[%swap3A_463, %swap3A_464] {strides = array<i32>} : memref<50x512xi32, #tpu.memory_space<vmem>>, vector<16xi32>,
      tpu.vector_store %arg6[%swap3A_463, %swap3A_464], %gather3A_462 {strides = array<i32>} : memref<50x512xi32, #tpu.memory_space<vmem>>, vector<16xi32>,
      %mul3A_466 = arith.constant 50 : i32
      %mul3A_467 = vector.broadcast %mul3A_466 : i32 to vector<16xi32>
      %mul3A_468 = arith.muli %iota3A, %mul3A_467 : vector<16xi32>
      %add3A_469 = arith.constant 2400 : i32
      %add3A_470 = arith.addi %scan3A_432, %add3A_469 : i32
      %add3A_471 = vector.broadcast %add3A_470 : i32 to vector<16xi32>
      %add3A_472 = arith.addi %mul3A_468, %add3A_471 : vector<16xi32>
      %gather3A_473 = tpu.vector_load_idx %arg5[%add3A_472] : memref<25600xi32, #tpu.memory_space<vmem>>[vector<16xi32>], vector<16xi32>,
      %swap3A_474 = arith.index_cast %scan3A_432 : i32 to index
      %swap3A_475 = arith.constant 48 : index
      %swap3A_476 = tpu.vector_load %arg6[%swap3A_474, %swap3A_475] {strides = array<i32>} : memref<50x512xi32, #tpu.memory_space<vmem>>, vector<16xi32>,
      tpu.vector_store %arg6[%swap3A_474, %swap3A_475], %gather3A_473 {strides = array<i32>} : memref<50x512xi32, #tpu.memory_space<vmem>>, vector<16xi32>,
      %mul3A_477 = arith.constant 50 : i32
      %mul3A_478 = vector.broadcast %mul3A_477 : i32 to vector<16xi32>
      %mul3A_479 = arith.muli %iota3A, %mul3A_478 : vector<16xi32>
      %add3A_480 = arith.constant 3200 : i32
      %add3A_481 = arith.addi %scan3A_432, %add3A_480 : i32
      %add3A_482 = vector.broadcast %add3A_481 : i32 to vector<16xi32>
      %add3A_483 = arith.addi %mul3A_479, %add3A_482 : vector<16xi32>
      %gather3A_484 = tpu.vector_load_idx %arg5[%add3A_483] : memref<25600xi32, #tpu.memory_space<vmem>>[vector<16xi32>], vector<16xi32>,
      %swap3A_485 = arith.index_cast %scan3A_432 : i32 to index
      %swap3A_486 = arith.constant 64 : index
      %swap3A_487 = tpu.vector_load %arg6[%swap3A_485, %swap3A_486] {strides = array<i32>} : memref<50x512xi32, #tpu.memory_space<vmem>>, vector<16xi32>,
      tpu.vector_store %arg6[%swap3A_485, %swap3A_486], %gather3A_484 {strides = array<i32>} : memref<50x512xi32, #tpu.memory_space<vmem>>, vector<16xi32>,
      %mul3A_488 = arith.constant 50 : i32
      %mul3A_489 = vector.broadcast %mul3A_488 : i32 to vector<16xi32>
      %mul3A_490 = arith.muli %iota3A, %mul3A_489 : vector<16xi32>
      %add3A_491 = arith.constant 4000 : i32
      %add3A_492 = arith.addi %scan3A_432, %add3A_491 : i32
      %add3A_493 = vector.broadcast %add3A_492 : i32 to vector<16xi32>
      %add3A_494 = arith.addi %mul3A_490, %add3A_493 : vector<16xi32>
      %gather3A_495 = tpu.vector_load_idx %arg5[%add3A_494] : memref<25600xi32, #tpu.memory_space<vmem>>[vector<16xi32>], vector<16xi32>,
      %swap3A_496 = arith.index_cast %scan3A_432 : i32 to index
      %swap3A_497 = arith.constant 80 : index
      %swap3A_498 = tpu.vector_load %arg6[%swap3A_496, %swap3A_497] {strides = array<i32>} : memref<50x512xi32, #tpu.memory_space<vmem>>, vector<16xi32>,
      tpu.vector_store %arg6[%swap3A_496, %swap3A_497], %gather3A_495 {strides = array<i32>} : memref<50x512xi32, #tpu.memory_space<vmem>>, vector<16xi32>,
      %mul3A_499 = arith.constant 50 : i32
      %mul3A_500 = vector.broadcast %mul3A_499 : i32 to vector<16xi32>
      %mul3A_501 = arith.muli %iota3A, %mul3A_500 : vector<16xi32>
      %add3A_502 = arith.constant 4800 : i32
      %add3A_503 = arith.addi %scan3A_432, %add3A_502 : i32
      %add3A_504 = vector.broadcast %add3A_503 : i32 to vector<16xi32>
      %add3A_505 = arith.addi %mul3A_501, %add3A_504 : vector<16xi32>
      %gather3A_506 = tpu.vector_load_idx %arg5[%add3A_505] : memref<25600xi32, #tpu.memory_space<vmem>>[vector<16xi32>], vector<16xi32>,
      %swap3A_507 = arith.index_cast %scan3A_432 : i32 to index
      %swap3A_508 = arith.constant 96 : index
      %swap3A_509 = tpu.vector_load %arg6[%swap3A_507, %swap3A_508] {strides = array<i32>} : memref<50x512xi32, #tpu.memory_space<vmem>>, vector<16xi32>,
      tpu.vector_store %arg6[%swap3A_507, %swap3A_508], %gather3A_506 {strides = array<i32>} : memref<50x512xi32, #tpu.memory_space<vmem>>, vector<16xi32>,
      %mul3A_510 = arith.constant 50 : i32
      %mul3A_511 = vector.broadcast %mul3A_510 : i32 to vector<16xi32>
      %mul3A_512 = arith.muli %iota3A, %mul3A_511 : vector<16xi32>
      %add3A_513 = arith.constant 5600 : i32
      %add3A_514 = arith.addi %scan3A_432, %add3A_513 : i32
      %add3A_515 = vector.broadcast %add3A_514 : i32 to vector<16xi32>
      %add3A_516 = arith.addi %mul3A_512, %add3A_515 : vector<16xi32>
      %gather3A_517 = tpu.vector_load_idx %arg5[%add3A_516] : memref<25600xi32, #tpu.memory_space<vmem>>[vector<16xi32>], vector<16xi32>,
      %swap3A_518 = arith.index_cast %scan3A_432 : i32 to index
      %swap3A_519 = arith.constant 112 : index
      %swap3A_520 = tpu.vector_load %arg6[%swap3A_518, %swap3A_519] {strides = array<i32>} : memref<50x512xi32, #tpu.memory_space<vmem>>, vector<16xi32>,
      tpu.vector_store %arg6[%swap3A_518, %swap3A_519], %gather3A_517 {strides = array<i32>} : memref<50x512xi32, #tpu.memory_space<vmem>>, vector<16xi32>,
      %mul3A_521 = arith.constant 50 : i32
      %mul3A_522 = vector.broadcast %mul3A_521 : i32 to vector<16xi32>
      %mul3A_523 = arith.muli %iota3A, %mul3A_522 : vector<16xi32>
      %add3A_524 = arith.constant 6400 : i32
      %add3A_525 = arith.addi %scan3A_432, %add3A_524 : i32
      %add3A_526 = vector.broadcast %add3A_525 : i32 to vector<16xi32>
      %add3A_527 = arith.addi %mul3A_523, %add3A_526 : vector<16xi32>
      %gather3A_528 = tpu.vector_load_idx %arg5[%add3A_527] : memref<25600xi32, #tpu.memory_space<vmem>>[vector<16xi32>], vector<16xi32>,
      %swap3A_529 = arith.index_cast %scan3A_432 : i32 to index
      %swap3A_530 = arith.constant 128 : index
      %swap3A_531 = tpu.vector_load %arg6[%swap3A_529, %swap3A_530] {strides = array<i32>} : memref<50x512xi32, #tpu.memory_space<vmem>>, vector<16xi32>,
      tpu.vector_store %arg6[%swap3A_529, %swap3A_530], %gather3A_528 {strides = array<i32>} : memref<50x512xi32, #tpu.memory_space<vmem>>, vector<16xi32>,
      %mul3A_532 = arith.constant 50 : i32
      %mul3A_533 = vector.broadcast %mul3A_532 : i32 to vector<16xi32>
      %mul3A_534 = arith.muli %iota3A, %mul3A_533 : vector<16xi32>
      %add3A_535 = arith.constant 7200 : i32
      %add3A_536 = arith.addi %scan3A_432, %add3A_535 : i32
      %add3A_537 = vector.broadcast %add3A_536 : i32 to vector<16xi32>
      %add3A_538 = arith.addi %mul3A_534, %add3A_537 : vector<16xi32>
      %gather3A_539 = tpu.vector_load_idx %arg5[%add3A_538] : memref<25600xi32, #tpu.memory_space<vmem>>[vector<16xi32>], vector<16xi32>,
      %swap3A_540 = arith.index_cast %scan3A_432 : i32 to index
      %swap3A_541 = arith.constant 144 : index
      %swap3A_542 = tpu.vector_load %arg6[%swap3A_540, %swap3A_541] {strides = array<i32>} : memref<50x512xi32, #tpu.memory_space<vmem>>, vector<16xi32>,
      tpu.vector_store %arg6[%swap3A_540, %swap3A_541], %gather3A_539 {strides = array<i32>} : memref<50x512xi32, #tpu.memory_space<vmem>>, vector<16xi32>,
      %mul3A_543 = arith.constant 50 : i32
      %mul3A_544 = vector.broadcast %mul3A_543 : i32 to vector<16xi32>
      %mul3A_545 = arith.muli %iota3A, %mul3A_544 : vector<16xi32>
      %add3A_546 = arith.constant 8000 : i32
      %add3A_547 = arith.addi %scan3A_432, %add3A_546 : i32
      %add3A_548 = vector.broadcast %add3A_547 : i32 to vector<16xi32>
      %add3A_549 = arith.addi %mul3A_545, %add3A_548 : vector<16xi32>
      %gather3A_550 = tpu.vector_load_idx %arg5[%add3A_549] : memref<25600xi32, #tpu.memory_space<vmem>>[vector<16xi32>], vector<16xi32>,
      %swap3A_551 = arith.index_cast %scan3A_432 : i32 to index
      %swap3A_552 = arith.constant 160 : index
      %swap3A_553 = tpu.vector_load %arg6[%swap3A_551, %swap3A_552] {strides = array<i32>} : memref<50x512xi32, #tpu.memory_space<vmem>>, vector<16xi32>,
      tpu.vector_store %arg6[%swap3A_551, %swap3A_552], %gather3A_550 {strides = array<i32>} : memref<50x512xi32, #tpu.memory_space<vmem>>, vector<16xi32>,
      %mul3A_554 = arith.constant 50 : i32
      %mul3A_555 = vector.broadcast %mul3A_554 : i32 to vector<16xi32>
      %mul3A_556 = arith.muli %iota3A, %mul3A_555 : vector<16xi32>
      %add3A_557 = arith.constant 8800 : i32
      %add3A_558 = arith.addi %scan3A_432, %add3A_557 : i32
      %add3A_559 = vector.broadcast %add3A_558 : i32 to vector<16xi32>
      %add3A_560 = arith.addi %mul3A_556, %add3A_559 : vector<16xi32>
      %gather3A_561 = tpu.vector_load_idx %arg5[%add3A_560] : memref<25600xi32, #tpu.memory_space<vmem>>[vector<16xi32>], vector<16xi32>,
      %swap3A_562 = arith.index_cast %scan3A_432 : i32 to index
      %swap3A_563 = arith.constant 176 : index
      %swap3A_564 = tpu.vector_load %arg6[%swap3A_562, %swap3A_563] {strides = array<i32>} : memref<50x512xi32, #tpu.memory_space<vmem>>, vector<16xi32>,
      tpu.vector_store %arg6[%swap3A_562, %swap3A_563], %gather3A_561 {strides = array<i32>} : memref<50x512xi32, #tpu.memory_space<vmem>>, vector<16xi32>,
      %mul3A_565 = arith.constant 50 : i32
      %mul3A_566 = vector.broadcast %mul3A_565 : i32 to vector<16xi32>
      %mul3A_567 = arith.muli %iota3A, %mul3A_566 : vector<16xi32>
      %add3A_568 = arith.constant 9600 : i32
      %add3A_569 = arith.addi %scan3A_432, %add3A_568 : i32
      %add3A_570 = vector.broadcast %add3A_569 : i32 to vector<16xi32>
      %add3A_571 = arith.addi %mul3A_567, %add3A_570 : vector<16xi32>
      %gather3A_572 = tpu.vector_load_idx %arg5[%add3A_571] : memref<25600xi32, #tpu.memory_space<vmem>>[vector<16xi32>], vector<16xi32>,
      %swap3A_573 = arith.index_cast %scan3A_432 : i32 to index
      %swap3A_574 = arith.constant 192 : index
      %swap3A_575 = tpu.vector_load %arg6[%swap3A_573, %swap3A_574] {strides = array<i32>} : memref<50x512xi32, #tpu.memory_space<vmem>>, vector<16xi32>,
      tpu.vector_store %arg6[%swap3A_573, %swap3A_574], %gather3A_572 {strides = array<i32>} : memref<50x512xi32, #tpu.memory_space<vmem>>, vector<16xi32>,
      %mul3A_576 = arith.constant 50 : i32
      %mul3A_577 = vector.broadcast %mul3A_576 : i32 to vector<16xi32>
      %mul3A_578 = arith.muli %iota3A, %mul3A_577 : vector<16xi32>
      %add3A_579 = arith.constant 10400 : i32
      %add3A_580 = arith.addi %scan3A_432, %add3A_579 : i32
      %add3A_581 = vector.broadcast %add3A_580 : i32 to vector<16xi32>
      %add3A_582 = arith.addi %mul3A_578, %add3A_581 : vector<16xi32>
      %gather3A_583 = tpu.vector_load_idx %arg5[%add3A_582] : memref<25600xi32, #tpu.memory_space<vmem>>[vector<16xi32>], vector<16xi32>,
      %swap3A_584 = arith.index_cast %scan3A_432 : i32 to index
      %swap3A_585 = arith.constant 208 : index
      %swap3A_586 = tpu.vector_load %arg6[%swap3A_584, %swap3A_585] {strides = array<i32>} : memref<50x512xi32, #tpu.memory_space<vmem>>, vector<16xi32>,
      tpu.vector_store %arg6[%swap3A_584, %swap3A_585], %gather3A_583 {strides = array<i32>} : memref<50x512xi32, #tpu.memory_space<vmem>>, vector<16xi32>,
      %mul3A_587 = arith.constant 50 : i32
      %mul3A_588 = vector.broadcast %mul3A_587 : i32 to vector<16xi32>
      %mul3A_589 = arith.muli %iota3A, %mul3A_588 : vector<16xi32>
      %add3A_590 = arith.constant 11200 : i32
      %add3A_591 = arith.addi %scan3A_432, %add3A_590 : i32
      %add3A_592 = vector.broadcast %add3A_591 : i32 to vector<16xi32>
      %add3A_593 = arith.addi %mul3A_589, %add3A_592 : vector<16xi32>
      %gather3A_594 = tpu.vector_load_idx %arg5[%add3A_593] : memref<25600xi32, #tpu.memory_space<vmem>>[vector<16xi32>], vector<16xi32>,
      %swap3A_595 = arith.index_cast %scan3A_432 : i32 to index
      %swap3A_596 = arith.constant 224 : index
      %swap3A_597 = tpu.vector_load %arg6[%swap3A_595, %swap3A_596] {strides = array<i32>} : memref<50x512xi32, #tpu.memory_space<vmem>>, vector<16xi32>,
      tpu.vector_store %arg6[%swap3A_595, %swap3A_596], %gather3A_594 {strides = array<i32>} : memref<50x512xi32, #tpu.memory_space<vmem>>, vector<16xi32>,
      %mul3A_598 = arith.constant 50 : i32
      %mul3A_599 = vector.broadcast %mul3A_598 : i32 to vector<16xi32>
      %mul3A_600 = arith.muli %iota3A, %mul3A_599 : vector<16xi32>
      %add3A_601 = arith.constant 12000 : i32
      %add3A_602 = arith.addi %scan3A_432, %add3A_601 : i32
      %add3A_603 = vector.broadcast %add3A_602 : i32 to vector<16xi32>
      %add3A_604 = arith.addi %mul3A_600, %add3A_603 : vector<16xi32>
      %gather3A_605 = tpu.vector_load_idx %arg5[%add3A_604] : memref<25600xi32, #tpu.memory_space<vmem>>[vector<16xi32>], vector<16xi32>,
      %swap3A_606 = arith.index_cast %scan3A_432 : i32 to index
      %swap3A_607 = arith.constant 240 : index
      %swap3A_608 = tpu.vector_load %arg6[%swap3A_606, %swap3A_607] {strides = array<i32>} : memref<50x512xi32, #tpu.memory_space<vmem>>, vector<16xi32>,
      tpu.vector_store %arg6[%swap3A_606, %swap3A_607], %gather3A_605 {strides = array<i32>} : memref<50x512xi32, #tpu.memory_space<vmem>>, vector<16xi32>,
      %mul3A_609 = arith.constant 50 : i32
      %mul3A_610 = vector.broadcast %mul3A_609 : i32 to vector<16xi32>
      %mul3A_611 = arith.muli %iota3A, %mul3A_610 : vector<16xi32>
      %add3A_612 = arith.constant 12800 : i32
      %add3A_613 = arith.addi %scan3A_432, %add3A_612 : i32
      %add3A_614 = vector.broadcast %add3A_613 : i32 to vector<16xi32>
      %add3A_615 = arith.addi %mul3A_611, %add3A_614 : vector<16xi32>
      %gather3A_616 = tpu.vector_load_idx %arg5[%add3A_615] : memref<25600xi32, #tpu.memory_space<vmem>>[vector<16xi32>], vector<16xi32>,
      %swap3A_617 = arith.index_cast %scan3A_432 : i32 to index
      %swap3A_618 = arith.constant 256 : index
      %swap3A_619 = tpu.vector_load %arg6[%swap3A_617, %swap3A_618] {strides = array<i32>} : memref<50x512xi32, #tpu.memory_space<vmem>>, vector<16xi32>,
      tpu.vector_store %arg6[%swap3A_617, %swap3A_618], %gather3A_616 {strides = array<i32>} : memref<50x512xi32, #tpu.memory_space<vmem>>, vector<16xi32>,
      %mul3A_620 = arith.constant 50 : i32
      %mul3A_621 = vector.broadcast %mul3A_620 : i32 to vector<16xi32>
      %mul3A_622 = arith.muli %iota3A, %mul3A_621 : vector<16xi32>
      %add3A_623 = arith.constant 13600 : i32
      %add3A_624 = arith.addi %scan3A_432, %add3A_623 : i32
      %add3A_625 = vector.broadcast %add3A_624 : i32 to vector<16xi32>
      %add3A_626 = arith.addi %mul3A_622, %add3A_625 : vector<16xi32>
      %gather3A_627 = tpu.vector_load_idx %arg5[%add3A_626] : memref<25600xi32, #tpu.memory_space<vmem>>[vector<16xi32>], vector<16xi32>,
      %swap3A_628 = arith.index_cast %scan3A_432 : i32 to index
      %swap3A_629 = arith.constant 272 : index
      %swap3A_630 = tpu.vector_load %arg6[%swap3A_628, %swap3A_629] {strides = array<i32>} : memref<50x512xi32, #tpu.memory_space<vmem>>, vector<16xi32>,
      tpu.vector_store %arg6[%swap3A_628, %swap3A_629], %gather3A_627 {strides = array<i32>} : memref<50x512xi32, #tpu.memory_space<vmem>>, vector<16xi32>,
      %mul3A_631 = arith.constant 50 : i32
      %mul3A_632 = vector.broadcast %mul3A_631 : i32 to vector<16xi32>
      %mul3A_633 = arith.muli %iota3A, %mul3A_632 : vector<16xi32>
      %add3A_634 = arith.constant 14400 : i32
      %add3A_635 = arith.addi %scan3A_432, %add3A_634 : i32
      %add3A_636 = vector.broadcast %add3A_635 : i32 to vector<16xi32>
      %add3A_637 = arith.addi %mul3A_633, %add3A_636 : vector<16xi32>
      %gather3A_638 = tpu.vector_load_idx %arg5[%add3A_637] : memref<25600xi32, #tpu.memory_space<vmem>>[vector<16xi32>], vector<16xi32>,
      %swap3A_639 = arith.index_cast %scan3A_432 : i32 to index
      %swap3A_640 = arith.constant 288 : index
      %swap3A_641 = tpu.vector_load %arg6[%swap3A_639, %swap3A_640] {strides = array<i32>} : memref<50x512xi32, #tpu.memory_space<vmem>>, vector<16xi32>,
      tpu.vector_store %arg6[%swap3A_639, %swap3A_640], %gather3A_638 {strides = array<i32>} : memref<50x512xi32, #tpu.memory_space<vmem>>, vector<16xi32>,
      %mul3A_642 = arith.constant 50 : i32
      %mul3A_643 = vector.broadcast %mul3A_642 : i32 to vector<16xi32>
      %mul3A_644 = arith.muli %iota3A, %mul3A_643 : vector<16xi32>
      %add3A_645 = arith.constant 15200 : i32
      %add3A_646 = arith.addi %scan3A_432, %add3A_645 : i32
      %add3A_647 = vector.broadcast %add3A_646 : i32 to vector<16xi32>
      %add3A_648 = arith.addi %mul3A_644, %add3A_647 : vector<16xi32>
      %gather3A_649 = tpu.vector_load_idx %arg5[%add3A_648] : memref<25600xi32, #tpu.memory_space<vmem>>[vector<16xi32>], vector<16xi32>,
      %swap3A_650 = arith.index_cast %scan3A_432 : i32 to index
      %swap3A_651 = arith.constant 304 : index
      %swap3A_652 = tpu.vector_load %arg6[%swap3A_650, %swap3A_651] {strides = array<i32>} : memref<50x512xi32, #tpu.memory_space<vmem>>, vector<16xi32>,
      tpu.vector_store %arg6[%swap3A_650, %swap3A_651], %gather3A_649 {strides = array<i32>} : memref<50x512xi32, #tpu.memory_space<vmem>>, vector<16xi32>,
      %mul3A_653 = arith.constant 50 : i32
      %mul3A_654 = vector.broadcast %mul3A_653 : i32 to vector<16xi32>
      %mul3A_655 = arith.muli %iota3A, %mul3A_654 : vector<16xi32>
      %add3A_656 = arith.constant 16000 : i32
      %add3A_657 = arith.addi %scan3A_432, %add3A_656 : i32
      %add3A_658 = vector.broadcast %add3A_657 : i32 to vector<16xi32>
      %add3A_659 = arith.addi %mul3A_655, %add3A_658 : vector<16xi32>
      %gather3A_660 = tpu.vector_load_idx %arg5[%add3A_659] : memref<25600xi32, #tpu.memory_space<vmem>>[vector<16xi32>], vector<16xi32>,
      %swap3A_661 = arith.index_cast %scan3A_432 : i32 to index
      %swap3A_662 = arith.constant 320 : index
      %swap3A_663 = tpu.vector_load %arg6[%swap3A_661, %swap3A_662] {strides = array<i32>} : memref<50x512xi32, #tpu.memory_space<vmem>>, vector<16xi32>,
      tpu.vector_store %arg6[%swap3A_661, %swap3A_662], %gather3A_660 {strides = array<i32>} : memref<50x512xi32, #tpu.memory_space<vmem>>, vector<16xi32>,
      %mul3A_664 = arith.constant 50 : i32
      %mul3A_665 = vector.broadcast %mul3A_664 : i32 to vector<16xi32>
      %mul3A_666 = arith.muli %iota3A, %mul3A_665 : vector<16xi32>
      %add3A_667 = arith.constant 16800 : i32
      %add3A_668 = arith.addi %scan3A_432, %add3A_667 : i32
      %add3A_669 = vector.broadcast %add3A_668 : i32 to vector<16xi32>
      %add3A_670 = arith.addi %mul3A_666, %add3A_669 : vector<16xi32>
      %gather3A_671 = tpu.vector_load_idx %arg5[%add3A_670] : memref<25600xi32, #tpu.memory_space<vmem>>[vector<16xi32>], vector<16xi32>,
      %swap3A_672 = arith.index_cast %scan3A_432 : i32 to index
      %swap3A_673 = arith.constant 336 : index
      %swap3A_674 = tpu.vector_load %arg6[%swap3A_672, %swap3A_673] {strides = array<i32>} : memref<50x512xi32, #tpu.memory_space<vmem>>, vector<16xi32>,
      tpu.vector_store %arg6[%swap3A_672, %swap3A_673], %gather3A_671 {strides = array<i32>} : memref<50x512xi32, #tpu.memory_space<vmem>>, vector<16xi32>,
      %mul3A_675 = arith.constant 50 : i32
      %mul3A_676 = vector.broadcast %mul3A_675 : i32 to vector<16xi32>
      %mul3A_677 = arith.muli %iota3A, %mul3A_676 : vector<16xi32>
      %add3A_678 = arith.constant 17600 : i32
      %add3A_679 = arith.addi %scan3A_432, %add3A_678 : i32
      %add3A_680 = vector.broadcast %add3A_679 : i32 to vector<16xi32>
      %add3A_681 = arith.addi %mul3A_677, %add3A_680 : vector<16xi32>
      %gather3A_682 = tpu.vector_load_idx %arg5[%add3A_681] : memref<25600xi32, #tpu.memory_space<vmem>>[vector<16xi32>], vector<16xi32>,
      %swap3A_683 = arith.index_cast %scan3A_432 : i32 to index
      %swap3A_684 = arith.constant 352 : index
      %swap3A_685 = tpu.vector_load %arg6[%swap3A_683, %swap3A_684] {strides = array<i32>} : memref<50x512xi32, #tpu.memory_space<vmem>>, vector<16xi32>,
      tpu.vector_store %arg6[%swap3A_683, %swap3A_684], %gather3A_682 {strides = array<i32>} : memref<50x512xi32, #tpu.memory_space<vmem>>, vector<16xi32>,
      %mul3A_686 = arith.constant 50 : i32
      %mul3A_687 = vector.broadcast %mul3A_686 : i32 to vector<16xi32>
      %mul3A_688 = arith.muli %iota3A, %mul3A_687 : vector<16xi32>
      %add3A_689 = arith.constant 18400 : i32
      %add3A_690 = arith.addi %scan3A_432, %add3A_689 : i32
      %add3A_691 = vector.broadcast %add3A_690 : i32 to vector<16xi32>
      %add3A_692 = arith.addi %mul3A_688, %add3A_691 : vector<16xi32>
      %gather3A_693 = tpu.vector_load_idx %arg5[%add3A_692] : memref<25600xi32, #tpu.memory_space<vmem>>[vector<16xi32>], vector<16xi32>,
      %swap3A_694 = arith.index_cast %scan3A_432 : i32 to index
      %swap3A_695 = arith.constant 368 : index
      %swap3A_696 = tpu.vector_load %arg6[%swap3A_694, %swap3A_695] {strides = array<i32>} : memref<50x512xi32, #tpu.memory_space<vmem>>, vector<16xi32>,
      tpu.vector_store %arg6[%swap3A_694, %swap3A_695], %gather3A_693 {strides = array<i32>} : memref<50x512xi32, #tpu.memory_space<vmem>>, vector<16xi32>,
      %mul3A_697 = arith.constant 50 : i32
      %mul3A_698 = vector.broadcast %mul3A_697 : i32 to vector<16xi32>
      %mul3A_699 = arith.muli %iota3A, %mul3A_698 : vector<16xi32>
      %add3A_700 = arith.constant 19200 : i32
      %add3A_701 = arith.addi %scan3A_432, %add3A_700 : i32
      %add3A_702 = vector.broadcast %add3A_701 : i32 to vector<16xi32>
      %add3A_703 = arith.addi %mul3A_699, %add3A_702 : vector<16xi32>
      %gather3A_704 = tpu.vector_load_idx %arg5[%add3A_703] : memref<25600xi32, #tpu.memory_space<vmem>>[vector<16xi32>], vector<16xi32>,
      %swap3A_705 = arith.index_cast %scan3A_432 : i32 to index
      %swap3A_706 = arith.constant 384 : index
      %swap3A_707 = tpu.vector_load %arg6[%swap3A_705, %swap3A_706] {strides = array<i32>} : memref<50x512xi32, #tpu.memory_space<vmem>>, vector<16xi32>,
      tpu.vector_store %arg6[%swap3A_705, %swap3A_706], %gather3A_704 {strides = array<i32>} : memref<50x512xi32, #tpu.memory_space<vmem>>, vector<16xi32>,
      %mul3A_708 = arith.constant 50 : i32
      %mul3A_709 = vector.broadcast %mul3A_708 : i32 to vector<16xi32>
      %mul3A_710 = arith.muli %iota3A, %mul3A_709 : vector<16xi32>
      %add3A_711 = arith.constant 20000 : i32
      %add3A_712 = arith.addi %scan3A_432, %add3A_711 : i32
      %add3A_713 = vector.broadcast %add3A_712 : i32 to vector<16xi32>
      %add3A_714 = arith.addi %mul3A_710, %add3A_713 : vector<16xi32>
      %gather3A_715 = tpu.vector_load_idx %arg5[%add3A_714] : memref<25600xi32, #tpu.memory_space<vmem>>[vector<16xi32>], vector<16xi32>,
      %swap3A_716 = arith.index_cast %scan3A_432 : i32 to index
      %swap3A_717 = arith.constant 400 : index
      %swap3A_718 = tpu.vector_load %arg6[%swap3A_716, %swap3A_717] {strides = array<i32>} : memref<50x512xi32, #tpu.memory_space<vmem>>, vector<16xi32>,
      tpu.vector_store %arg6[%swap3A_716, %swap3A_717], %gather3A_715 {strides = array<i32>} : memref<50x512xi32, #tpu.memory_space<vmem>>, vector<16xi32>,
      %mul3A_719 = arith.constant 50 : i32
      %mul3A_720 = vector.broadcast %mul3A_719 : i32 to vector<16xi32>
      %mul3A_721 = arith.muli %iota3A, %mul3A_720 : vector<16xi32>
      %add3A_722 = arith.constant 20800 : i32
      %add3A_723 = arith.addi %scan3A_432, %add3A_722 : i32
      %add3A_724 = vector.broadcast %add3A_723 : i32 to vector<16xi32>
      %add3A_725 = arith.addi %mul3A_721, %add3A_724 : vector<16xi32>
      %gather3A_726 = tpu.vector_load_idx %arg5[%add3A_725] : memref<25600xi32, #tpu.memory_space<vmem>>[vector<16xi32>], vector<16xi32>,
      %swap3A_727 = arith.index_cast %scan3A_432 : i32 to index
      %swap3A_728 = arith.constant 416 : index
      %swap3A_729 = tpu.vector_load %arg6[%swap3A_727, %swap3A_728] {strides = array<i32>} : memref<50x512xi32, #tpu.memory_space<vmem>>, vector<16xi32>,
      tpu.vector_store %arg6[%swap3A_727, %swap3A_728], %gather3A_726 {strides = array<i32>} : memref<50x512xi32, #tpu.memory_space<vmem>>, vector<16xi32>,
      %mul3A_730 = arith.constant 50 : i32
      %mul3A_731 = vector.broadcast %mul3A_730 : i32 to vector<16xi32>
      %mul3A_732 = arith.muli %iota3A, %mul3A_731 : vector<16xi32>
      %add3A_733 = arith.constant 21600 : i32
      %add3A_734 = arith.addi %scan3A_432, %add3A_733 : i32
      %add3A_735 = vector.broadcast %add3A_734 : i32 to vector<16xi32>
      %add3A_736 = arith.addi %mul3A_732, %add3A_735 : vector<16xi32>
      %gather3A_737 = tpu.vector_load_idx %arg5[%add3A_736] : memref<25600xi32, #tpu.memory_space<vmem>>[vector<16xi32>], vector<16xi32>,
      %swap3A_738 = arith.index_cast %scan3A_432 : i32 to index
      %swap3A_739 = arith.constant 432 : index
      %swap3A_740 = tpu.vector_load %arg6[%swap3A_738, %swap3A_739] {strides = array<i32>} : memref<50x512xi32, #tpu.memory_space<vmem>>, vector<16xi32>,
      tpu.vector_store %arg6[%swap3A_738, %swap3A_739], %gather3A_737 {strides = array<i32>} : memref<50x512xi32, #tpu.memory_space<vmem>>, vector<16xi32>,
      %mul3A_741 = arith.constant 50 : i32
      %mul3A_742 = vector.broadcast %mul3A_741 : i32 to vector<16xi32>
      %mul3A_743 = arith.muli %iota3A, %mul3A_742 : vector<16xi32>
      %add3A_744 = arith.constant 22400 : i32
      %add3A_745 = arith.addi %scan3A_432, %add3A_744 : i32
      %add3A_746 = vector.broadcast %add3A_745 : i32 to vector<16xi32>
      %add3A_747 = arith.addi %mul3A_743, %add3A_746 : vector<16xi32>
      %gather3A_748 = tpu.vector_load_idx %arg5[%add3A_747] : memref<25600xi32, #tpu.memory_space<vmem>>[vector<16xi32>], vector<16xi32>,
      %swap3A_749 = arith.index_cast %scan3A_432 : i32 to index
      %swap3A_750 = arith.constant 448 : index
      %swap3A_751 = tpu.vector_load %arg6[%swap3A_749, %swap3A_750] {strides = array<i32>} : memref<50x512xi32, #tpu.memory_space<vmem>>, vector<16xi32>,
      tpu.vector_store %arg6[%swap3A_749, %swap3A_750], %gather3A_748 {strides = array<i32>} : memref<50x512xi32, #tpu.memory_space<vmem>>, vector<16xi32>,
      %mul3A_752 = arith.constant 50 : i32
      %mul3A_753 = vector.broadcast %mul3A_752 : i32 to vector<16xi32>
      %mul3A_754 = arith.muli %iota3A, %mul3A_753 : vector<16xi32>
      %add3A_755 = arith.constant 23200 : i32
      %add3A_756 = arith.addi %scan3A_432, %add3A_755 : i32
      %add3A_757 = vector.broadcast %add3A_756 : i32 to vector<16xi32>
      %add3A_758 = arith.addi %mul3A_754, %add3A_757 : vector<16xi32>
      %gather3A_759 = tpu.vector_load_idx %arg5[%add3A_758] : memref<25600xi32, #tpu.memory_space<vmem>>[vector<16xi32>], vector<16xi32>,
      %swap3A_760 = arith.index_cast %scan3A_432 : i32 to index
      %swap3A_761 = arith.constant 464 : index
      %swap3A_762 = tpu.vector_load %arg6[%swap3A_760, %swap3A_761] {strides = array<i32>} : memref<50x512xi32, #tpu.memory_space<vmem>>, vector<16xi32>,
      tpu.vector_store %arg6[%swap3A_760, %swap3A_761], %gather3A_759 {strides = array<i32>} : memref<50x512xi32, #tpu.memory_space<vmem>>, vector<16xi32>,
      %mul3A_763 = arith.constant 50 : i32
      %mul3A_764 = vector.broadcast %mul3A_763 : i32 to vector<16xi32>
      %mul3A_765 = arith.muli %iota3A, %mul3A_764 : vector<16xi32>
      %add3A_766 = arith.constant 24000 : i32
      %add3A_767 = arith.addi %scan3A_432, %add3A_766 : i32
      %add3A_768 = vector.broadcast %add3A_767 : i32 to vector<16xi32>
      %add3A_769 = arith.addi %mul3A_765, %add3A_768 : vector<16xi32>
      %gather3A_770 = tpu.vector_load_idx %arg5[%add3A_769] : memref<25600xi32, #tpu.memory_space<vmem>>[vector<16xi32>], vector<16xi32>,
      %swap3A_771 = arith.index_cast %scan3A_432 : i32 to index
      %swap3A_772 = arith.constant 480 : index
      %swap3A_773 = tpu.vector_load %arg6[%swap3A_771, %swap3A_772] {strides = array<i32>} : memref<50x512xi32, #tpu.memory_space<vmem>>, vector<16xi32>,
      tpu.vector_store %arg6[%swap3A_771, %swap3A_772], %gather3A_770 {strides = array<i32>} : memref<50x512xi32, #tpu.memory_space<vmem>>, vector<16xi32>,
      %mul3A_774 = arith.constant 50 : i32
      %mul3A_775 = vector.broadcast %mul3A_774 : i32 to vector<16xi32>
      %mul3A_776 = arith.muli %iota3A, %mul3A_775 : vector<16xi32>
      %add3A_777 = arith.constant 24800 : i32
      %add3A_778 = arith.addi %scan3A_432, %add3A_777 : i32
      %add3A_779 = vector.broadcast %add3A_778 : i32 to vector<16xi32>
      %add3A_780 = arith.addi %mul3A_776, %add3A_779 : vector<16xi32>
      %gather3A_781 = tpu.vector_load_idx %arg5[%add3A_780] : memref<25600xi32, #tpu.memory_space<vmem>>[vector<16xi32>], vector<16xi32>,
      %swap3A_782 = arith.index_cast %scan3A_432 : i32 to index
      %swap3A_783 = arith.constant 496 : index
      %swap3A_784 = tpu.vector_load %arg6[%swap3A_782, %swap3A_783] {strides = array<i32>} : memref<50x512xi32, #tpu.memory_space<vmem>>, vector<16xi32>,
      tpu.vector_store %arg6[%swap3A_782, %swap3A_783], %gather3A_781 {strides = array<i32>} : memref<50x512xi32, #tpu.memory_space<vmem>>, vector<16xi32>,
      %dma_start3A_785 = arith.constant 0 : i32
      %dma_start3A_786 = tpu.memref_slice %arg6[%scan3A_432, %dma_start3A_785] : memref<50x512xi32, #tpu.memory_space<vmem>> -> memref<1x512xi32, #tpu.memory_space<vmem>>
      %dma_start3A_787 = tpu.memref_squeeze %dma_start3A_786 : memref<1x512xi32, #tpu.memory_space<vmem>> -> memref<512xi32, #tpu.memory_space<vmem>>
      %dma_start3A_788 = arith.constant 0 : i32
      %dma_start3A_789 = arith.constant 0 : i32
      %dma_start3A_790 = tpu.memref_slice %arg2[%dma_start3A_788, %dma_start3A_789] : memref<100000x64xf32, #tpu.memory_space<hbm>> -> memref<100000x64xf32, #tpu.memory_space<hbm>>
      tpu.enqueue_indirect_dma source(%dma_start3A_790 : memref<100000x64xf32, #tpu.memory_space<hbm>>) target(%arg7 : memref<512x64xf32, #tpu.memory_space<vmem>>) offsets(%dma_start3A_787 : memref<512xi32, #tpu.memory_space<vmem>>) semaphore(%arg8 : memref<!tpu.dma_semaphore, #tpu.memory_space<semaphore_mem>>) {add = true}
    }
    %scan3A_367 = arith.constant 8 : i32
    %scan3A_368 = arith.constant 0 : i32
    %scan3A_369 = arith.constant 9 : i32
    %scan3A_370 = arith.constant 41 : i32
    %scan3A_371 = arith.addi %scan3A_369, %scan3A_370 : i32
    %scan3A_372 = arith.constant 1 : i32
    scf.for %scan3A_432 = %scan3A_369 to %scan3A_371 step %scan3A_372  : i32 {
      %mul3A_433 = arith.constant 50 : i32
      %mul3A_434 = vector.broadcast %mul3A_433 : i32 to vector<16xi32>
      %mul3A_435 = arith.muli %iota3A, %mul3A_434 : vector<16xi32>
      %add3A_436 = arith.constant 0 : i32
      %add3A_437 = arith.addi %scan3A_432, %add3A_436 : i32
      %add3A_438 = vector.broadcast %add3A_437 : i32 to vector<16xi32>
      %add3A_439 = arith.addi %mul3A_435, %add3A_438 : vector<16xi32>
      %gather3A_440 = tpu.vector_load_idx %arg5[%add3A_439] : memref<25600xi32, #tpu.memory_space<vmem>>[vector<16xi32>], vector<16xi32>,
      %swap3A_441 = arith.index_cast %scan3A_432 : i32 to index
      %swap3A_442 = arith.constant 0 : index
      %swap3A_443 = tpu.vector_load %arg6[%swap3A_441, %swap3A_442] {strides = array<i32>} : memref<50x512xi32, #tpu.memory_space<vmem>>, vector<16xi32>,
      tpu.vector_store %arg6[%swap3A_441, %swap3A_442], %gather3A_440 {strides = array<i32>} : memref<50x512xi32, #tpu.memory_space<vmem>>, vector<16xi32>,
      %mul3A_444 = arith.constant 50 : i32
      %mul3A_445 = vector.broadcast %mul3A_444 : i32 to vector<16xi32>
      %mul3A_446 = arith.muli %iota3A, %mul3A_445 : vector<16xi32>
      %add3A_447 = arith.constant 800 : i32
      %add3A_448 = arith.addi %scan3A_432, %add3A_447 : i32
      %add3A_449 = vector.broadcast %add3A_448 : i32 to vector<16xi32>
      %add3A_450 = arith.addi %mul3A_446, %add3A_449 : vector<16xi32>
      %gather3A_451 = tpu.vector_load_idx %arg5[%add3A_450] : memref<25600xi32, #tpu.memory_space<vmem>>[vector<16xi32>], vector<16xi32>,
      %swap3A_452 = arith.index_cast %scan3A_432 : i32 to index
      %swap3A_453 = arith.constant 16 : index
      %swap3A_454 = tpu.vector_load %arg6[%swap3A_452, %swap3A_453] {strides = array<i32>} : memref<50x512xi32, #tpu.memory_space<vmem>>, vector<16xi32>,
      tpu.vector_store %arg6[%swap3A_452, %swap3A_453], %gather3A_451 {strides = array<i32>} : memref<50x512xi32, #tpu.memory_space<vmem>>, vector<16xi32>,
      %mul3A_455 = arith.constant 50 : i32
      %mul3A_456 = vector.broadcast %mul3A_455 : i32 to vector<16xi32>
      %mul3A_457 = arith.muli %iota3A, %mul3A_456 : vector<16xi32>
      %add3A_458 = arith.constant 1600 : i32
      %add3A_459 = arith.addi %scan3A_432, %add3A_458 : i32
      %add3A_460 = vector.broadcast %add3A_459 : i32 to vector<16xi32>
      %add3A_461 = arith.addi %mul3A_457, %add3A_460 : vector<16xi32>
      %gather3A_462 = tpu.vector_load_idx %arg5[%add3A_461] : memref<25600xi32, #tpu.memory_space<vmem>>[vector<16xi32>], vector<16xi32>,
      %swap3A_463 = arith.index_cast %scan3A_432 : i32 to index
      %swap3A_464 = arith.constant 32 : index
      %swap3A_465 = tpu.vector_load %arg6[%swap3A_463, %swap3A_464] {strides = array<i32>} : memref<50x512xi32, #tpu.memory_space<vmem>>, vector<16xi32>,
      tpu.vector_store %arg6[%swap3A_463, %swap3A_464], %gather3A_462 {strides = array<i32>} : memref<50x512xi32, #tpu.memory_space<vmem>>, vector<16xi32>,
      %mul3A_466 = arith.constant 50 : i32
      %mul3A_467 = vector.broadcast %mul3A_466 : i32 to vector<16xi32>
      %mul3A_468 = arith.muli %iota3A, %mul3A_467 : vector<16xi32>
      %add3A_469 = arith.constant 2400 : i32
      %add3A_470 = arith.addi %scan3A_432, %add3A_469 : i32
      %add3A_471 = vector.broadcast %add3A_470 : i32 to vector<16xi32>
      %add3A_472 = arith.addi %mul3A_468, %add3A_471 : vector<16xi32>
      %gather3A_473 = tpu.vector_load_idx %arg5[%add3A_472] : memref<25600xi32, #tpu.memory_space<vmem>>[vector<16xi32>], vector<16xi32>,
      %swap3A_474 = arith.index_cast %scan3A_432 : i32 to index
      %swap3A_475 = arith.constant 48 : index
      %swap3A_476 = tpu.vector_load %arg6[%swap3A_474, %swap3A_475] {strides = array<i32>} : memref<50x512xi32, #tpu.memory_space<vmem>>, vector<16xi32>,
      tpu.vector_store %arg6[%swap3A_474, %swap3A_475], %gather3A_473 {strides = array<i32>} : memref<50x512xi32, #tpu.memory_space<vmem>>, vector<16xi32>,
      %mul3A_477 = arith.constant 50 : i32
      %mul3A_478 = vector.broadcast %mul3A_477 : i32 to vector<16xi32>
      %mul3A_479 = arith.muli %iota3A, %mul3A_478 : vector<16xi32>
      %add3A_480 = arith.constant 3200 : i32
      %add3A_481 = arith.addi %scan3A_432, %add3A_480 : i32
      %add3A_482 = vector.broadcast %add3A_481 : i32 to vector<16xi32>
      %add3A_483 = arith.addi %mul3A_479, %add3A_482 : vector<16xi32>
      %gather3A_484 = tpu.vector_load_idx %arg5[%add3A_483] : memref<25600xi32, #tpu.memory_space<vmem>>[vector<16xi32>], vector<16xi32>,
      %swap3A_485 = arith.index_cast %scan3A_432 : i32 to index
      %swap3A_486 = arith.constant 64 : index
      %swap3A_487 = tpu.vector_load %arg6[%swap3A_485, %swap3A_486] {strides = array<i32>} : memref<50x512xi32, #tpu.memory_space<vmem>>, vector<16xi32>,
      tpu.vector_store %arg6[%swap3A_485, %swap3A_486], %gather3A_484 {strides = array<i32>} : memref<50x512xi32, #tpu.memory_space<vmem>>, vector<16xi32>,
      %mul3A_488 = arith.constant 50 : i32
      %mul3A_489 = vector.broadcast %mul3A_488 : i32 to vector<16xi32>
      %mul3A_490 = arith.muli %iota3A, %mul3A_489 : vector<16xi32>
      %add3A_491 = arith.constant 4000 : i32
      %add3A_492 = arith.addi %scan3A_432, %add3A_491 : i32
      %add3A_493 = vector.broadcast %add3A_492 : i32 to vector<16xi32>
      %add3A_494 = arith.addi %mul3A_490, %add3A_493 : vector<16xi32>
      %gather3A_495 = tpu.vector_load_idx %arg5[%add3A_494] : memref<25600xi32, #tpu.memory_space<vmem>>[vector<16xi32>], vector<16xi32>,
      %swap3A_496 = arith.index_cast %scan3A_432 : i32 to index
      %swap3A_497 = arith.constant 80 : index
      %swap3A_498 = tpu.vector_load %arg6[%swap3A_496, %swap3A_497] {strides = array<i32>} : memref<50x512xi32, #tpu.memory_space<vmem>>, vector<16xi32>,
      tpu.vector_store %arg6[%swap3A_496, %swap3A_497], %gather3A_495 {strides = array<i32>} : memref<50x512xi32, #tpu.memory_space<vmem>>, vector<16xi32>,
      %mul3A_499 = arith.constant 50 : i32
      %mul3A_500 = vector.broadcast %mul3A_499 : i32 to vector<16xi32>
      %mul3A_501 = arith.muli %iota3A, %mul3A_500 : vector<16xi32>
      %add3A_502 = arith.constant 4800 : i32
      %add3A_503 = arith.addi %scan3A_432, %add3A_502 : i32
      %add3A_504 = vector.broadcast %add3A_503 : i32 to vector<16xi32>
      %add3A_505 = arith.addi %mul3A_501, %add3A_504 : vector<16xi32>
      %gather3A_506 = tpu.vector_load_idx %arg5[%add3A_505] : memref<25600xi32, #tpu.memory_space<vmem>>[vector<16xi32>], vector<16xi32>,
      %swap3A_507 = arith.index_cast %scan3A_432 : i32 to index
      %swap3A_508 = arith.constant 96 : index
      %swap3A_509 = tpu.vector_load %arg6[%swap3A_507, %swap3A_508] {strides = array<i32>} : memref<50x512xi32, #tpu.memory_space<vmem>>, vector<16xi32>,
      tpu.vector_store %arg6[%swap3A_507, %swap3A_508], %gather3A_506 {strides = array<i32>} : memref<50x512xi32, #tpu.memory_space<vmem>>, vector<16xi32>,
      %mul3A_510 = arith.constant 50 : i32
      %mul3A_511 = vector.broadcast %mul3A_510 : i32 to vector<16xi32>
      %mul3A_512 = arith.muli %iota3A, %mul3A_511 : vector<16xi32>
      %add3A_513 = arith.constant 5600 : i32
      %add3A_514 = arith.addi %scan3A_432, %add3A_513 : i32
      %add3A_515 = vector.broadcast %add3A_514 : i32 to vector<16xi32>
      %add3A_516 = arith.addi %mul3A_512, %add3A_515 : vector<16xi32>
      %gather3A_517 = tpu.vector_load_idx %arg5[%add3A_516] : memref<25600xi32, #tpu.memory_space<vmem>>[vector<16xi32>], vector<16xi32>,
      %swap3A_518 = arith.index_cast %scan3A_432 : i32 to index
      %swap3A_519 = arith.constant 112 : index
      %swap3A_520 = tpu.vector_load %arg6[%swap3A_518, %swap3A_519] {strides = array<i32>} : memref<50x512xi32, #tpu.memory_space<vmem>>, vector<16xi32>,
      tpu.vector_store %arg6[%swap3A_518, %swap3A_519], %gather3A_517 {strides = array<i32>} : memref<50x512xi32, #tpu.memory_space<vmem>>, vector<16xi32>,
      %mul3A_521 = arith.constant 50 : i32
      %mul3A_522 = vector.broadcast %mul3A_521 : i32 to vector<16xi32>
      %mul3A_523 = arith.muli %iota3A, %mul3A_522 : vector<16xi32>
      %add3A_524 = arith.constant 6400 : i32
      %add3A_525 = arith.addi %scan3A_432, %add3A_524 : i32
      %add3A_526 = vector.broadcast %add3A_525 : i32 to vector<16xi32>
      %add3A_527 = arith.addi %mul3A_523, %add3A_526 : vector<16xi32>
      %gather3A_528 = tpu.vector_load_idx %arg5[%add3A_527] : memref<25600xi32, #tpu.memory_space<vmem>>[vector<16xi32>], vector<16xi32>,
      %swap3A_529 = arith.index_cast %scan3A_432 : i32 to index
      %swap3A_530 = arith.constant 128 : index
      %swap3A_531 = tpu.vector_load %arg6[%swap3A_529, %swap3A_530] {strides = array<i32>} : memref<50x512xi32, #tpu.memory_space<vmem>>, vector<16xi32>,
      tpu.vector_store %arg6[%swap3A_529, %swap3A_530], %gather3A_528 {strides = array<i32>} : memref<50x512xi32, #tpu.memory_space<vmem>>, vector<16xi32>,
      %mul3A_532 = arith.constant 50 : i32
      %mul3A_533 = vector.broadcast %mul3A_532 : i32 to vector<16xi32>
      %mul3A_534 = arith.muli %iota3A, %mul3A_533 : vector<16xi32>
      %add3A_535 = arith.constant 7200 : i32
      %add3A_536 = arith.addi %scan3A_432, %add3A_535 : i32
      %add3A_537 = vector.broadcast %add3A_536 : i32 to vector<16xi32>
      %add3A_538 = arith.addi %mul3A_534, %add3A_537 : vector<16xi32>
      %gather3A_539 = tpu.vector_load_idx %arg5[%add3A_538] : memref<25600xi32, #tpu.memory_space<vmem>>[vector<16xi32>], vector<16xi32>,
      %swap3A_540 = arith.index_cast %scan3A_432 : i32 to index
      %swap3A_541 = arith.constant 144 : index
      %swap3A_542 = tpu.vector_load %arg6[%swap3A_540, %swap3A_541] {strides = array<i32>} : memref<50x512xi32, #tpu.memory_space<vmem>>, vector<16xi32>,
      tpu.vector_store %arg6[%swap3A_540, %swap3A_541], %gather3A_539 {strides = array<i32>} : memref<50x512xi32, #tpu.memory_space<vmem>>, vector<16xi32>,
      %mul3A_543 = arith.constant 50 : i32
      %mul3A_544 = vector.broadcast %mul3A_543 : i32 to vector<16xi32>
      %mul3A_545 = arith.muli %iota3A, %mul3A_544 : vector<16xi32>
      %add3A_546 = arith.constant 8000 : i32
      %add3A_547 = arith.addi %scan3A_432, %add3A_546 : i32
      %add3A_548 = vector.broadcast %add3A_547 : i32 to vector<16xi32>
      %add3A_549 = arith.addi %mul3A_545, %add3A_548 : vector<16xi32>
      %gather3A_550 = tpu.vector_load_idx %arg5[%add3A_549] : memref<25600xi32, #tpu.memory_space<vmem>>[vector<16xi32>], vector<16xi32>,
      %swap3A_551 = arith.index_cast %scan3A_432 : i32 to index
      %swap3A_552 = arith.constant 160 : index
      %swap3A_553 = tpu.vector_load %arg6[%swap3A_551, %swap3A_552] {strides = array<i32>} : memref<50x512xi32, #tpu.memory_space<vmem>>, vector<16xi32>,
      tpu.vector_store %arg6[%swap3A_551, %swap3A_552], %gather3A_550 {strides = array<i32>} : memref<50x512xi32, #tpu.memory_space<vmem>>, vector<16xi32>,
      %mul3A_554 = arith.constant 50 : i32
      %mul3A_555 = vector.broadcast %mul3A_554 : i32 to vector<16xi32>
      %mul3A_556 = arith.muli %iota3A, %mul3A_555 : vector<16xi32>
      %add3A_557 = arith.constant 8800 : i32
      %add3A_558 = arith.addi %scan3A_432, %add3A_557 : i32
      %add3A_559 = vector.broadcast %add3A_558 : i32 to vector<16xi32>
      %add3A_560 = arith.addi %mul3A_556, %add3A_559 : vector<16xi32>
      %gather3A_561 = tpu.vector_load_idx %arg5[%add3A_560] : memref<25600xi32, #tpu.memory_space<vmem>>[vector<16xi32>], vector<16xi32>,
      %swap3A_562 = arith.index_cast %scan3A_432 : i32 to index
      %swap3A_563 = arith.constant 176 : index
      %swap3A_564 = tpu.vector_load %arg6[%swap3A_562, %swap3A_563] {strides = array<i32>} : memref<50x512xi32, #tpu.memory_space<vmem>>, vector<16xi32>,
      tpu.vector_store %arg6[%swap3A_562, %swap3A_563], %gather3A_561 {strides = array<i32>} : memref<50x512xi32, #tpu.memory_space<vmem>>, vector<16xi32>,
      %mul3A_565 = arith.constant 50 : i32
      %mul3A_566 = vector.broadcast %mul3A_565 : i32 to vector<16xi32>
      %mul3A_567 = arith.muli %iota3A, %mul3A_566 : vector<16xi32>
      %add3A_568 = arith.constant 9600 : i32
      %add3A_569 = arith.addi %scan3A_432, %add3A_568 : i32
      %add3A_570 = vector.broadcast %add3A_569 : i32 to vector<16xi32>
      %add3A_571 = arith.addi %mul3A_567, %add3A_570 : vector<16xi32>
      %gather3A_572 = tpu.vector_load_idx %arg5[%add3A_571] : memref<25600xi32, #tpu.memory_space<vmem>>[vector<16xi32>], vector<16xi32>,
      %swap3A_573 = arith.index_cast %scan3A_432 : i32 to index
      %swap3A_574 = arith.constant 192 : index
      %swap3A_575 = tpu.vector_load %arg6[%swap3A_573, %swap3A_574] {strides = array<i32>} : memref<50x512xi32, #tpu.memory_space<vmem>>, vector<16xi32>,
      tpu.vector_store %arg6[%swap3A_573, %swap3A_574], %gather3A_572 {strides = array<i32>} : memref<50x512xi32, #tpu.memory_space<vmem>>, vector<16xi32>,
      %mul3A_576 = arith.constant 50 : i32
      %mul3A_577 = vector.broadcast %mul3A_576 : i32 to vector<16xi32>
      %mul3A_578 = arith.muli %iota3A, %mul3A_577 : vector<16xi32>
      %add3A_579 = arith.constant 10400 : i32
      %add3A_580 = arith.addi %scan3A_432, %add3A_579 : i32
      %add3A_581 = vector.broadcast %add3A_580 : i32 to vector<16xi32>
      %add3A_582 = arith.addi %mul3A_578, %add3A_581 : vector<16xi32>
      %gather3A_583 = tpu.vector_load_idx %arg5[%add3A_582] : memref<25600xi32, #tpu.memory_space<vmem>>[vector<16xi32>], vector<16xi32>,
      %swap3A_584 = arith.index_cast %scan3A_432 : i32 to index
      %swap3A_585 = arith.constant 208 : index
      %swap3A_586 = tpu.vector_load %arg6[%swap3A_584, %swap3A_585] {strides = array<i32>} : memref<50x512xi32, #tpu.memory_space<vmem>>, vector<16xi32>,
      tpu.vector_store %arg6[%swap3A_584, %swap3A_585], %gather3A_583 {strides = array<i32>} : memref<50x512xi32, #tpu.memory_space<vmem>>, vector<16xi32>,
      %mul3A_587 = arith.constant 50 : i32
      %mul3A_588 = vector.broadcast %mul3A_587 : i32 to vector<16xi32>
      %mul3A_589 = arith.muli %iota3A, %mul3A_588 : vector<16xi32>
      %add3A_590 = arith.constant 11200 : i32
      %add3A_591 = arith.addi %scan3A_432, %add3A_590 : i32
      %add3A_592 = vector.broadcast %add3A_591 : i32 to vector<16xi32>
      %add3A_593 = arith.addi %mul3A_589, %add3A_592 : vector<16xi32>
      %gather3A_594 = tpu.vector_load_idx %arg5[%add3A_593] : memref<25600xi32, #tpu.memory_space<vmem>>[vector<16xi32>], vector<16xi32>,
      %swap3A_595 = arith.index_cast %scan3A_432 : i32 to index
      %swap3A_596 = arith.constant 224 : index
      %swap3A_597 = tpu.vector_load %arg6[%swap3A_595, %swap3A_596] {strides = array<i32>} : memref<50x512xi32, #tpu.memory_space<vmem>>, vector<16xi32>,
      tpu.vector_store %arg6[%swap3A_595, %swap3A_596], %gather3A_594 {strides = array<i32>} : memref<50x512xi32, #tpu.memory_space<vmem>>, vector<16xi32>,
      %mul3A_598 = arith.constant 50 : i32
      %mul3A_599 = vector.broadcast %mul3A_598 : i32 to vector<16xi32>
      %mul3A_600 = arith.muli %iota3A, %mul3A_599 : vector<16xi32>
      %add3A_601 = arith.constant 12000 : i32
      %add3A_602 = arith.addi %scan3A_432, %add3A_601 : i32
      %add3A_603 = vector.broadcast %add3A_602 : i32 to vector<16xi32>
      %add3A_604 = arith.addi %mul3A_600, %add3A_603 : vector<16xi32>
      %gather3A_605 = tpu.vector_load_idx %arg5[%add3A_604] : memref<25600xi32, #tpu.memory_space<vmem>>[vector<16xi32>], vector<16xi32>,
      %swap3A_606 = arith.index_cast %scan3A_432 : i32 to index
      %swap3A_607 = arith.constant 240 : index
      %swap3A_608 = tpu.vector_load %arg6[%swap3A_606, %swap3A_607] {strides = array<i32>} : memref<50x512xi32, #tpu.memory_space<vmem>>, vector<16xi32>,
      tpu.vector_store %arg6[%swap3A_606, %swap3A_607], %gather3A_605 {strides = array<i32>} : memref<50x512xi32, #tpu.memory_space<vmem>>, vector<16xi32>,
      %mul3A_609 = arith.constant 50 : i32
      %mul3A_610 = vector.broadcast %mul3A_609 : i32 to vector<16xi32>
      %mul3A_611 = arith.muli %iota3A, %mul3A_610 : vector<16xi32>
      %add3A_612 = arith.constant 12800 : i32
      %add3A_613 = arith.addi %scan3A_432, %add3A_612 : i32
      %add3A_614 = vector.broadcast %add3A_613 : i32 to vector<16xi32>
      %add3A_615 = arith.addi %mul3A_611, %add3A_614 : vector<16xi32>
      %gather3A_616 = tpu.vector_load_idx %arg5[%add3A_615] : memref<25600xi32, #tpu.memory_space<vmem>>[vector<16xi32>], vector<16xi32>,
      %swap3A_617 = arith.index_cast %scan3A_432 : i32 to index
      %swap3A_618 = arith.constant 256 : index
      %swap3A_619 = tpu.vector_load %arg6[%swap3A_617, %swap3A_618] {strides = array<i32>} : memref<50x512xi32, #tpu.memory_space<vmem>>, vector<16xi32>,
      tpu.vector_store %arg6[%swap3A_617, %swap3A_618], %gather3A_616 {strides = array<i32>} : memref<50x512xi32, #tpu.memory_space<vmem>>, vector<16xi32>,
      %mul3A_620 = arith.constant 50 : i32
      %mul3A_621 = vector.broadcast %mul3A_620 : i32 to vector<16xi32>
      %mul3A_622 = arith.muli %iota3A, %mul3A_621 : vector<16xi32>
      %add3A_623 = arith.constant 13600 : i32
      %add3A_624 = arith.addi %scan3A_432, %add3A_623 : i32
      %add3A_625 = vector.broadcast %add3A_624 : i32 to vector<16xi32>
      %add3A_626 = arith.addi %mul3A_622, %add3A_625 : vector<16xi32>
      %gather3A_627 = tpu.vector_load_idx %arg5[%add3A_626] : memref<25600xi32, #tpu.memory_space<vmem>>[vector<16xi32>], vector<16xi32>,
      %swap3A_628 = arith.index_cast %scan3A_432 : i32 to index
      %swap3A_629 = arith.constant 272 : index
      %swap3A_630 = tpu.vector_load %arg6[%swap3A_628, %swap3A_629] {strides = array<i32>} : memref<50x512xi32, #tpu.memory_space<vmem>>, vector<16xi32>,
      tpu.vector_store %arg6[%swap3A_628, %swap3A_629], %gather3A_627 {strides = array<i32>} : memref<50x512xi32, #tpu.memory_space<vmem>>, vector<16xi32>,
      %mul3A_631 = arith.constant 50 : i32
      %mul3A_632 = vector.broadcast %mul3A_631 : i32 to vector<16xi32>
      %mul3A_633 = arith.muli %iota3A, %mul3A_632 : vector<16xi32>
      %add3A_634 = arith.constant 14400 : i32
      %add3A_635 = arith.addi %scan3A_432, %add3A_634 : i32
      %add3A_636 = vector.broadcast %add3A_635 : i32 to vector<16xi32>
      %add3A_637 = arith.addi %mul3A_633, %add3A_636 : vector<16xi32>
      %gather3A_638 = tpu.vector_load_idx %arg5[%add3A_637] : memref<25600xi32, #tpu.memory_space<vmem>>[vector<16xi32>], vector<16xi32>,
      %swap3A_639 = arith.index_cast %scan3A_432 : i32 to index
      %swap3A_640 = arith.constant 288 : index
      %swap3A_641 = tpu.vector_load %arg6[%swap3A_639, %swap3A_640] {strides = array<i32>} : memref<50x512xi32, #tpu.memory_space<vmem>>, vector<16xi32>,
      tpu.vector_store %arg6[%swap3A_639, %swap3A_640], %gather3A_638 {strides = array<i32>} : memref<50x512xi32, #tpu.memory_space<vmem>>, vector<16xi32>,
      %mul3A_642 = arith.constant 50 : i32
      %mul3A_643 = vector.broadcast %mul3A_642 : i32 to vector<16xi32>
      %mul3A_644 = arith.muli %iota3A, %mul3A_643 : vector<16xi32>
      %add3A_645 = arith.constant 15200 : i32
      %add3A_646 = arith.addi %scan3A_432, %add3A_645 : i32
      %add3A_647 = vector.broadcast %add3A_646 : i32 to vector<16xi32>
      %add3A_648 = arith.addi %mul3A_644, %add3A_647 : vector<16xi32>
      %gather3A_649 = tpu.vector_load_idx %arg5[%add3A_648] : memref<25600xi32, #tpu.memory_space<vmem>>[vector<16xi32>], vector<16xi32>,
      %swap3A_650 = arith.index_cast %scan3A_432 : i32 to index
      %swap3A_651 = arith.constant 304 : index
      %swap3A_652 = tpu.vector_load %arg6[%swap3A_650, %swap3A_651] {strides = array<i32>} : memref<50x512xi32, #tpu.memory_space<vmem>>, vector<16xi32>,
      tpu.vector_store %arg6[%swap3A_650, %swap3A_651], %gather3A_649 {strides = array<i32>} : memref<50x512xi32, #tpu.memory_space<vmem>>, vector<16xi32>,
      %mul3A_653 = arith.constant 50 : i32
      %mul3A_654 = vector.broadcast %mul3A_653 : i32 to vector<16xi32>
      %mul3A_655 = arith.muli %iota3A, %mul3A_654 : vector<16xi32>
      %add3A_656 = arith.constant 16000 : i32
      %add3A_657 = arith.addi %scan3A_432, %add3A_656 : i32
      %add3A_658 = vector.broadcast %add3A_657 : i32 to vector<16xi32>
      %add3A_659 = arith.addi %mul3A_655, %add3A_658 : vector<16xi32>
      %gather3A_660 = tpu.vector_load_idx %arg5[%add3A_659] : memref<25600xi32, #tpu.memory_space<vmem>>[vector<16xi32>], vector<16xi32>,
      %swap3A_661 = arith.index_cast %scan3A_432 : i32 to index
      %swap3A_662 = arith.constant 320 : index
      %swap3A_663 = tpu.vector_load %arg6[%swap3A_661, %swap3A_662] {strides = array<i32>} : memref<50x512xi32, #tpu.memory_space<vmem>>, vector<16xi32>,
      tpu.vector_store %arg6[%swap3A_661, %swap3A_662], %gather3A_660 {strides = array<i32>} : memref<50x512xi32, #tpu.memory_space<vmem>>, vector<16xi32>,
      %mul3A_664 = arith.constant 50 : i32
      %mul3A_665 = vector.broadcast %mul3A_664 : i32 to vector<16xi32>
      %mul3A_666 = arith.muli %iota3A, %mul3A_665 : vector<16xi32>
      %add3A_667 = arith.constant 16800 : i32
      %add3A_668 = arith.addi %scan3A_432, %add3A_667 : i32
      %add3A_669 = vector.broadcast %add3A_668 : i32 to vector<16xi32>
      %add3A_670 = arith.addi %mul3A_666, %add3A_669 : vector<16xi32>
      %gather3A_671 = tpu.vector_load_idx %arg5[%add3A_670] : memref<25600xi32, #tpu.memory_space<vmem>>[vector<16xi32>], vector<16xi32>,
      %swap3A_672 = arith.index_cast %scan3A_432 : i32 to index
      %swap3A_673 = arith.constant 336 : index
      %swap3A_674 = tpu.vector_load %arg6[%swap3A_672, %swap3A_673] {strides = array<i32>} : memref<50x512xi32, #tpu.memory_space<vmem>>, vector<16xi32>,
      tpu.vector_store %arg6[%swap3A_672, %swap3A_673], %gather3A_671 {strides = array<i32>} : memref<50x512xi32, #tpu.memory_space<vmem>>, vector<16xi32>,
      %mul3A_675 = arith.constant 50 : i32
      %mul3A_676 = vector.broadcast %mul3A_675 : i32 to vector<16xi32>
      %mul3A_677 = arith.muli %iota3A, %mul3A_676 : vector<16xi32>
      %add3A_678 = arith.constant 17600 : i32
      %add3A_679 = arith.addi %scan3A_432, %add3A_678 : i32
      %add3A_680 = vector.broadcast %add3A_679 : i32 to vector<16xi32>
      %add3A_681 = arith.addi %mul3A_677, %add3A_680 : vector<16xi32>
      %gather3A_682 = tpu.vector_load_idx %arg5[%add3A_681] : memref<25600xi32, #tpu.memory_space<vmem>>[vector<16xi32>], vector<16xi32>,
      %swap3A_683 = arith.index_cast %scan3A_432 : i32 to index
      %swap3A_684 = arith.constant 352 : index
      %swap3A_685 = tpu.vector_load %arg6[%swap3A_683, %swap3A_684] {strides = array<i32>} : memref<50x512xi32, #tpu.memory_space<vmem>>, vector<16xi32>,
      tpu.vector_store %arg6[%swap3A_683, %swap3A_684], %gather3A_682 {strides = array<i32>} : memref<50x512xi32, #tpu.memory_space<vmem>>, vector<16xi32>,
      %mul3A_686 = arith.constant 50 : i32
      %mul3A_687 = vector.broadcast %mul3A_686 : i32 to vector<16xi32>
      %mul3A_688 = arith.muli %iota3A, %mul3A_687 : vector<16xi32>
      %add3A_689 = arith.constant 18400 : i32
      %add3A_690 = arith.addi %scan3A_432, %add3A_689 : i32
      %add3A_691 = vector.broadcast %add3A_690 : i32 to vector<16xi32>
      %add3A_692 = arith.addi %mul3A_688, %add3A_691 : vector<16xi32>
      %gather3A_693 = tpu.vector_load_idx %arg5[%add3A_692] : memref<25600xi32, #tpu.memory_space<vmem>>[vector<16xi32>], vector<16xi32>,
      %swap3A_694 = arith.index_cast %scan3A_432 : i32 to index
      %swap3A_695 = arith.constant 368 : index
      %swap3A_696 = tpu.vector_load %arg6[%swap3A_694, %swap3A_695] {strides = array<i32>} : memref<50x512xi32, #tpu.memory_space<vmem>>, vector<16xi32>,
      tpu.vector_store %arg6[%swap3A_694, %swap3A_695], %gather3A_693 {strides = array<i32>} : memref<50x512xi32, #tpu.memory_space<vmem>>, vector<16xi32>,
      %mul3A_697 = arith.constant 50 : i32
      %mul3A_698 = vector.broadcast %mul3A_697 : i32 to vector<16xi32>
      %mul3A_699 = arith.muli %iota3A, %mul3A_698 : vector<16xi32>
      %add3A_700 = arith.constant 19200 : i32
      %add3A_701 = arith.addi %scan3A_432, %add3A_700 : i32
      %add3A_702 = vector.broadcast %add3A_701 : i32 to vector<16xi32>
      %add3A_703 = arith.addi %mul3A_699, %add3A_702 : vector<16xi32>
      %gather3A_704 = tpu.vector_load_idx %arg5[%add3A_703] : memref<25600xi32, #tpu.memory_space<vmem>>[vector<16xi32>], vector<16xi32>,
      %swap3A_705 = arith.index_cast %scan3A_432 : i32 to index
      %swap3A_706 = arith.constant 384 : index
      %swap3A_707 = tpu.vector_load %arg6[%swap3A_705, %swap3A_706] {strides = array<i32>} : memref<50x512xi32, #tpu.memory_space<vmem>>, vector<16xi32>,
      tpu.vector_store %arg6[%swap3A_705, %swap3A_706], %gather3A_704 {strides = array<i32>} : memref<50x512xi32, #tpu.memory_space<vmem>>, vector<16xi32>,
      %mul3A_708 = arith.constant 50 : i32
      %mul3A_709 = vector.broadcast %mul3A_708 : i32 to vector<16xi32>
      %mul3A_710 = arith.muli %iota3A, %mul3A_709 : vector<16xi32>
      %add3A_711 = arith.constant 20000 : i32
      %add3A_712 = arith.addi %scan3A_432, %add3A_711 : i32
      %add3A_713 = vector.broadcast %add3A_712 : i32 to vector<16xi32>
      %add3A_714 = arith.addi %mul3A_710, %add3A_713 : vector<16xi32>
      %gather3A_715 = tpu.vector_load_idx %arg5[%add3A_714] : memref<25600xi32, #tpu.memory_space<vmem>>[vector<16xi32>], vector<16xi32>,
      %swap3A_716 = arith.index_cast %scan3A_432 : i32 to index
      %swap3A_717 = arith.constant 400 : index
      %swap3A_718 = tpu.vector_load %arg6[%swap3A_716, %swap3A_717] {strides = array<i32>} : memref<50x512xi32, #tpu.memory_space<vmem>>, vector<16xi32>,
      tpu.vector_store %arg6[%swap3A_716, %swap3A_717], %gather3A_715 {strides = array<i32>} : memref<50x512xi32, #tpu.memory_space<vmem>>, vector<16xi32>,
      %mul3A_719 = arith.constant 50 : i32
      %mul3A_720 = vector.broadcast %mul3A_719 : i32 to vector<16xi32>
      %mul3A_721 = arith.muli %iota3A, %mul3A_720 : vector<16xi32>
      %add3A_722 = arith.constant 20800 : i32
      %add3A_723 = arith.addi %scan3A_432, %add3A_722 : i32
      %add3A_724 = vector.broadcast %add3A_723 : i32 to vector<16xi32>
      %add3A_725 = arith.addi %mul3A_721, %add3A_724 : vector<16xi32>
      %gather3A_726 = tpu.vector_load_idx %arg5[%add3A_725] : memref<25600xi32, #tpu.memory_space<vmem>>[vector<16xi32>], vector<16xi32>,
      %swap3A_727 = arith.index_cast %scan3A_432 : i32 to index
      %swap3A_728 = arith.constant 416 : index
      %swap3A_729 = tpu.vector_load %arg6[%swap3A_727, %swap3A_728] {strides = array<i32>} : memref<50x512xi32, #tpu.memory_space<vmem>>, vector<16xi32>,
      tpu.vector_store %arg6[%swap3A_727, %swap3A_728], %gather3A_726 {strides = array<i32>} : memref<50x512xi32, #tpu.memory_space<vmem>>, vector<16xi32>,
      %mul3A_730 = arith.constant 50 : i32
      %mul3A_731 = vector.broadcast %mul3A_730 : i32 to vector<16xi32>
      %mul3A_732 = arith.muli %iota3A, %mul3A_731 : vector<16xi32>
      %add3A_733 = arith.constant 21600 : i32
      %add3A_734 = arith.addi %scan3A_432, %add3A_733 : i32
      %add3A_735 = vector.broadcast %add3A_734 : i32 to vector<16xi32>
      %add3A_736 = arith.addi %mul3A_732, %add3A_735 : vector<16xi32>
      %gather3A_737 = tpu.vector_load_idx %arg5[%add3A_736] : memref<25600xi32, #tpu.memory_space<vmem>>[vector<16xi32>], vector<16xi32>,
      %swap3A_738 = arith.index_cast %scan3A_432 : i32 to index
      %swap3A_739 = arith.constant 432 : index
      %swap3A_740 = tpu.vector_load %arg6[%swap3A_738, %swap3A_739] {strides = array<i32>} : memref<50x512xi32, #tpu.memory_space<vmem>>, vector<16xi32>,
      tpu.vector_store %arg6[%swap3A_738, %swap3A_739], %gather3A_737 {strides = array<i32>} : memref<50x512xi32, #tpu.memory_space<vmem>>, vector<16xi32>,
      %mul3A_741 = arith.constant 50 : i32
      %mul3A_742 = vector.broadcast %mul3A_741 : i32 to vector<16xi32>
      %mul3A_743 = arith.muli %iota3A, %mul3A_742 : vector<16xi32>
      %add3A_744 = arith.constant 22400 : i32
      %add3A_745 = arith.addi %scan3A_432, %add3A_744 : i32
      %add3A_746 = vector.broadcast %add3A_745 : i32 to vector<16xi32>
      %add3A_747 = arith.addi %mul3A_743, %add3A_746 : vector<16xi32>
      %gather3A_748 = tpu.vector_load_idx %arg5[%add3A_747] : memref<25600xi32, #tpu.memory_space<vmem>>[vector<16xi32>], vector<16xi32>,
      %swap3A_749 = arith.index_cast %scan3A_432 : i32 to index
      %swap3A_750 = arith.constant 448 : index
      %swap3A_751 = tpu.vector_load %arg6[%swap3A_749, %swap3A_750] {strides = array<i32>} : memref<50x512xi32, #tpu.memory_space<vmem>>, vector<16xi32>,
      tpu.vector_store %arg6[%swap3A_749, %swap3A_750], %gather3A_748 {strides = array<i32>} : memref<50x512xi32, #tpu.memory_space<vmem>>, vector<16xi32>,
      %mul3A_752 = arith.constant 50 : i32
      %mul3A_753 = vector.broadcast %mul3A_752 : i32 to vector<16xi32>
      %mul3A_754 = arith.muli %iota3A, %mul3A_753 : vector<16xi32>
      %add3A_755 = arith.constant 23200 : i32
      %add3A_756 = arith.addi %scan3A_432, %add3A_755 : i32
      %add3A_757 = vector.broadcast %add3A_756 : i32 to vector<16xi32>
      %add3A_758 = arith.addi %mul3A_754, %add3A_757 : vector<16xi32>
      %gather3A_759 = tpu.vector_load_idx %arg5[%add3A_758] : memref<25600xi32, #tpu.memory_space<vmem>>[vector<16xi32>], vector<16xi32>,
      %swap3A_760 = arith.index_cast %scan3A_432 : i32 to index
      %swap3A_761 = arith.constant 464 : index
      %swap3A_762 = tpu.vector_load %arg6[%swap3A_760, %swap3A_761] {strides = array<i32>} : memref<50x512xi32, #tpu.memory_space<vmem>>, vector<16xi32>,
      tpu.vector_store %arg6[%swap3A_760, %swap3A_761], %gather3A_759 {strides = array<i32>} : memref<50x512xi32, #tpu.memory_space<vmem>>, vector<16xi32>,
      %mul3A_763 = arith.constant 50 : i32
      %mul3A_764 = vector.broadcast %mul3A_763 : i32 to vector<16xi32>
      %mul3A_765 = arith.muli %iota3A, %mul3A_764 : vector<16xi32>
      %add3A_766 = arith.constant 24000 : i32
      %add3A_767 = arith.addi %scan3A_432, %add3A_766 : i32
      %add3A_768 = vector.broadcast %add3A_767 : i32 to vector<16xi32>
      %add3A_769 = arith.addi %mul3A_765, %add3A_768 : vector<16xi32>
      %gather3A_770 = tpu.vector_load_idx %arg5[%add3A_769] : memref<25600xi32, #tpu.memory_space<vmem>>[vector<16xi32>], vector<16xi32>,
      %swap3A_771 = arith.index_cast %scan3A_432 : i32 to index
      %swap3A_772 = arith.constant 480 : index
      %swap3A_773 = tpu.vector_load %arg6[%swap3A_771, %swap3A_772] {strides = array<i32>} : memref<50x512xi32, #tpu.memory_space<vmem>>, vector<16xi32>,
      tpu.vector_store %arg6[%swap3A_771, %swap3A_772], %gather3A_770 {strides = array<i32>} : memref<50x512xi32, #tpu.memory_space<vmem>>, vector<16xi32>,
      %mul3A_774 = arith.constant 50 : i32
      %mul3A_775 = vector.broadcast %mul3A_774 : i32 to vector<16xi32>
      %mul3A_776 = arith.muli %iota3A, %mul3A_775 : vector<16xi32>
      %add3A_777 = arith.constant 24800 : i32
      %add3A_778 = arith.addi %scan3A_432, %add3A_777 : i32
      %add3A_779 = vector.broadcast %add3A_778 : i32 to vector<16xi32>
      %add3A_780 = arith.addi %mul3A_776, %add3A_779 : vector<16xi32>
      %gather3A_781 = tpu.vector_load_idx %arg5[%add3A_780] : memref<25600xi32, #tpu.memory_space<vmem>>[vector<16xi32>], vector<16xi32>,
      %swap3A_782 = arith.index_cast %scan3A_432 : i32 to index
      %swap3A_783 = arith.constant 496 : index
      %swap3A_784 = tpu.vector_load %arg6[%swap3A_782, %swap3A_783] {strides = array<i32>} : memref<50x512xi32, #tpu.memory_space<vmem>>, vector<16xi32>,
      tpu.vector_store %arg6[%swap3A_782, %swap3A_783], %gather3A_781 {strides = array<i32>} : memref<50x512xi32, #tpu.memory_space<vmem>>, vector<16xi32>,
      %dma_start3A_785 = arith.constant 0 : i32
      %dma_start3A_786 = tpu.memref_slice %arg6[%scan3A_432, %dma_start3A_785] : memref<50x512xi32, #tpu.memory_space<vmem>> -> memref<1x512xi32, #tpu.memory_space<vmem>>
      %dma_start3A_787 = tpu.memref_squeeze %dma_start3A_786 : memref<1x512xi32, #tpu.memory_space<vmem>> -> memref<512xi32, #tpu.memory_space<vmem>>
      %dma_start3A_788 = arith.constant 0 : i32
      %dma_start3A_789 = arith.constant 0 : i32
      %dma_start3A_790 = tpu.memref_slice %arg2[%dma_start3A_788, %dma_start3A_789] : memref<100000x64xf32, #tpu.memory_space<hbm>> -> memref<100000x64xf32, #tpu.memory_space<hbm>>
      tpu.enqueue_indirect_dma source(%dma_start3A_790 : memref<100000x64xf32, #tpu.memory_space<hbm>>) target(%arg7 : memref<512x64xf32, #tpu.memory_space<vmem>>) offsets(%dma_start3A_787 : memref<512xi32, #tpu.memory_space<vmem>>) semaphore(%arg8 : memref<!tpu.dma_semaphore, #tpu.memory_space<semaphore_mem>>) {add = true}
      %sub3A = arith.constant 8 : i32
      %sub3A_791 = arith.subi %scan3A_432, %sub3A : i32
      %dma_wait3A_792 = arith.constant 0 : i32
      %dma_wait3A_793 = tpu.memref_slice %arg6[%sub3A_791, %dma_wait3A_792] : memref<50x512xi32, #tpu.memory_space<vmem>> -> memref<1x512xi32, #tpu.memory_space<vmem>>
      %dma_wait3A_794 = tpu.memref_squeeze %dma_wait3A_793 : memref<1x512xi32, #tpu.memory_space<vmem>> -> memref<512xi32, #tpu.memory_space<vmem>>
      %dma_wait3A_795 = arith.constant 0 : i32
      %dma_wait3A_796 = arith.constant 0 : i32
      %dma_wait3A_797 = tpu.memref_slice %arg2[%dma_wait3A_795, %dma_wait3A_796] : memref<100000x64xf32, #tpu.memory_space<hbm>> -> memref<100000x64xf32, #tpu.memory_space<hbm>>
      tpu.wait_indirect_dma semaphore(%arg8 : memref<!tpu.dma_semaphore, #tpu.memory_space<semaphore_mem>>) src(%dma_wait3A_797 : memref<100000x64xf32, #tpu.memory_space<hbm>>) dst(%arg7 : memref<512x64xf32, #tpu.memory_space<vmem>>)
    }
    %scan3A_373 = arith.constant 41 : i32
    %dma_wait3A_374 = arith.constant 42 : i32
    %dma_wait3A_375 = arith.constant 0 : i32
    %dma_wait3A_376 = tpu.memref_slice %arg6[%dma_wait3A_374, %dma_wait3A_375] : memref<50x512xi32, #tpu.memory_space<vmem>> -> memref<1x512xi32, #tpu.memory_space<vmem>>
    %dma_wait3A_377 = tpu.memref_squeeze %dma_wait3A_376 : memref<1x512xi32, #tpu.memory_space<vmem>> -> memref<512xi32, #tpu.memory_space<vmem>>
    %dma_wait3A_378 = arith.constant 0 : i32
    %dma_wait3A_379 = arith.constant 0 : i32
    %dma_wait3A_380 = tpu.memref_slice %arg2[%dma_wait3A_378, %dma_wait3A_379] : memref<100000x64xf32, #tpu.memory_space<hbm>> -> memref<100000x64xf32, #tpu.memory_space<hbm>>
    tpu.wait_indirect_dma semaphore(%arg8 : memref<!tpu.dma_semaphore, #tpu.memory_space<semaphore_mem>>) src(%dma_wait3A_380 : memref<100000x64xf32, #tpu.memory_space<hbm>>) dst(%arg7 : memref<512x64xf32, #tpu.memory_space<vmem>>)
    %dma_wait3A_381 = arith.constant 43 : i32
    %dma_wait3A_382 = arith.constant 0 : i32
    %dma_wait3A_383 = tpu.memref_slice %arg6[%dma_wait3A_381, %dma_wait3A_382] : memref<50x512xi32, #tpu.memory_space<vmem>> -> memref<1x512xi32, #tpu.memory_space<vmem>>
    %dma_wait3A_384 = tpu.memref_squeeze %dma_wait3A_383 : memref<1x512xi32, #tpu.memory_space<vmem>> -> memref<512xi32, #tpu.memory_space<vmem>>
    %dma_wait3A_385 = arith.constant 0 : i32
    %dma_wait3A_386 = arith.constant 0 : i32
    %dma_wait3A_387 = tpu.memref_slice %arg2[%dma_wait3A_385, %dma_wait3A_386] : memref<100000x64xf32, #tpu.memory_space<hbm>> -> memref<100000x64xf32, #tpu.memory_space<hbm>>
    tpu.wait_indirect_dma semaphore(%arg8 : memref<!tpu.dma_semaphore, #tpu.memory_space<semaphore_mem>>) src(%dma_wait3A_387 : memref<100000x64xf32, #tpu.memory_space<hbm>>) dst(%arg7 : memref<512x64xf32, #tpu.memory_space<vmem>>)
    %dma_wait3A_388 = arith.constant 44 : i32
    %dma_wait3A_389 = arith.constant 0 : i32
    %dma_wait3A_390 = tpu.memref_slice %arg6[%dma_wait3A_388, %dma_wait3A_389] : memref<50x512xi32, #tpu.memory_space<vmem>> -> memref<1x512xi32, #tpu.memory_space<vmem>>
    %dma_wait3A_391 = tpu.memref_squeeze %dma_wait3A_390 : memref<1x512xi32, #tpu.memory_space<vmem>> -> memref<512xi32, #tpu.memory_space<vmem>>
    %dma_wait3A_392 = arith.constant 0 : i32
    %dma_wait3A_393 = arith.constant 0 : i32
    %dma_wait3A_394 = tpu.memref_slice %arg2[%dma_wait3A_392, %dma_wait3A_393] : memref<100000x64xf32, #tpu.memory_space<hbm>> -> memref<100000x64xf32, #tpu.memory_space<hbm>>
    tpu.wait_indirect_dma semaphore(%arg8 : memref<!tpu.dma_semaphore, #tpu.memory_space<semaphore_mem>>) src(%dma_wait3A_394 : memref<100000x64xf32, #tpu.memory_space<hbm>>) dst(%arg7 : memref<512x64xf32, #tpu.memory_space<vmem>>)
    %dma_wait3A_395 = arith.constant 45 : i32
    %dma_wait3A_396 = arith.constant 0 : i32
    %dma_wait3A_397 = tpu.memref_slice %arg6[%dma_wait3A_395, %dma_wait3A_396] : memref<50x512xi32, #tpu.memory_space<vmem>> -> memref<1x512xi32, #tpu.memory_space<vmem>>
    %dma_wait3A_398 = tpu.memref_squeeze %dma_wait3A_397 : memref<1x512xi32, #tpu.memory_space<vmem>> -> memref<512xi32, #tpu.memory_space<vmem>>
    %dma_wait3A_399 = arith.constant 0 : i32
    %dma_wait3A_400 = arith.constant 0 : i32
    %dma_wait3A_401 = tpu.memref_slice %arg2[%dma_wait3A_399, %dma_wait3A_400] : memref<100000x64xf32, #tpu.memory_space<hbm>> -> memref<100000x64xf32, #tpu.memory_space<hbm>>
    tpu.wait_indirect_dma semaphore(%arg8 : memref<!tpu.dma_semaphore, #tpu.memory_space<semaphore_mem>>) src(%dma_wait3A_401 : memref<100000x64xf32, #tpu.memory_space<hbm>>) dst(%arg7 : memref<512x64xf32, #tpu.memory_space<vmem>>)
    %dma_wait3A_402 = arith.constant 46 : i32
    %dma_wait3A_403 = arith.constant 0 : i32
    %dma_wait3A_404 = tpu.memref_slice %arg6[%dma_wait3A_402, %dma_wait3A_403] : memref<50x512xi32, #tpu.memory_space<vmem>> -> memref<1x512xi32, #tpu.memory_space<vmem>>
    %dma_wait3A_405 = tpu.memref_squeeze %dma_wait3A_404 : memref<1x512xi32, #tpu.memory_space<vmem>> -> memref<512xi32, #tpu.memory_space<vmem>>
    %dma_wait3A_406 = arith.constant 0 : i32
    %dma_wait3A_407 = arith.constant 0 : i32
    %dma_wait3A_408 = tpu.memref_slice %arg2[%dma_wait3A_406, %dma_wait3A_407] : memref<100000x64xf32, #tpu.memory_space<hbm>> -> memref<100000x64xf32, #tpu.memory_space<hbm>>
    tpu.wait_indirect_dma semaphore(%arg8 : memref<!tpu.dma_semaphore, #tpu.memory_space<semaphore_mem>>) src(%dma_wait3A_408 : memref<100000x64xf32, #tpu.memory_space<hbm>>) dst(%arg7 : memref<512x64xf32, #tpu.memory_space<vmem>>)
    %dma_wait3A_409 = arith.constant 47 : i32
    %dma_wait3A_410 = arith.constant 0 : i32
    %dma_wait3A_411 = tpu.memref_slice %arg6[%dma_wait3A_409, %dma_wait3A_410] : memref<50x512xi32, #tpu.memory_space<vmem>> -> memref<1x512xi32, #tpu.memory_space<vmem>>
    %dma_wait3A_412 = tpu.memref_squeeze %dma_wait3A_411 : memref<1x512xi32, #tpu.memory_space<vmem>> -> memref<512xi32, #tpu.memory_space<vmem>>
    %dma_wait3A_413 = arith.constant 0 : i32
    %dma_wait3A_414 = arith.constant 0 : i32
    %dma_wait3A_415 = tpu.memref_slice %arg2[%dma_wait3A_413, %dma_wait3A_414] : memref<100000x64xf32, #tpu.memory_space<hbm>> -> memref<100000x64xf32, #tpu.memory_space<hbm>>
    tpu.wait_indirect_dma semaphore(%arg8 : memref<!tpu.dma_semaphore, #tpu.memory_space<semaphore_mem>>) src(%dma_wait3A_415 : memref<100000x64xf32, #tpu.memory_space<hbm>>) dst(%arg7 : memref<512x64xf32, #tpu.memory_space<vmem>>)
    %dma_wait3A_416 = arith.constant 48 : i32
    %dma_wait3A_417 = arith.constant 0 : i32
    %dma_wait3A_418 = tpu.memref_slice %arg6[%dma_wait3A_416, %dma_wait3A_417] : memref<50x512xi32, #tpu.memory_space<vmem>> -> memref<1x512xi32, #tpu.memory_space<vmem>>
    %dma_wait3A_419 = tpu.memref_squeeze %dma_wait3A_418 : memref<1x512xi32, #tpu.memory_space<vmem>> -> memref<512xi32, #tpu.memory_space<vmem>>
    %dma_wait3A_420 = arith.constant 0 : i32
    %dma_wait3A_421 = arith.constant 0 : i32
    %dma_wait3A_422 = tpu.memref_slice %arg2[%dma_wait3A_420, %dma_wait3A_421] : memref<100000x64xf32, #tpu.memory_space<hbm>> -> memref<100000x64xf32, #tpu.memory_space<hbm>>
    tpu.wait_indirect_dma semaphore(%arg8 : memref<!tpu.dma_semaphore, #tpu.memory_space<semaphore_mem>>) src(%dma_wait3A_422 : memref<100000x64xf32, #tpu.memory_space<hbm>>) dst(%arg7 : memref<512x64xf32, #tpu.memory_space<vmem>>)
    %dma_wait3A_423 = arith.constant 49 : i32
    %dma_wait3A_424 = arith.constant 0 : i32
    %dma_wait3A_425 = tpu.memref_slice %arg6[%dma_wait3A_423, %dma_wait3A_424] : memref<50x512xi32, #tpu.memory_space<vmem>> -> memref<1x512xi32, #tpu.memory_space<vmem>>
    %dma_wait3A_426 = tpu.memref_squeeze %dma_wait3A_425 : memref<1x512xi32, #tpu.memory_space<vmem>> -> memref<512xi32, #tpu.memory_space<vmem>>
    %dma_wait3A_427 = arith.constant 0 : i32
    %dma_wait3A_428 = arith.constant 0 : i32
    %dma_wait3A_429 = tpu.memref_slice %arg2[%dma_wait3A_427, %dma_wait3A_428] : memref<100000x64xf32, #tpu.memory_space<hbm>> -> memref<100000x64xf32, #tpu.memory_space<hbm>>
    tpu.wait_indirect_dma semaphore(%arg8 : memref<!tpu.dma_semaphore, #tpu.memory_space<semaphore_mem>>) src(%dma_wait3A_429 : memref<100000x64xf32, #tpu.memory_space<hbm>>) dst(%arg7 : memref<512x64xf32, #tpu.memory_space<vmem>>)
    %mul3A_430 = arith.constant 512 : i32
    %mul3A_431 = arith.muli %add3A, %mul3A_430 : i32
    "tpu.region"() ({
      %run_scoped3A = tpu.sem_alloc : memref<!tpu.dma_semaphore, #tpu.memory_space<semaphore_mem>>
      %dma_start3A_432 = arith.constant 0 : i32
      %dma_start3A_433 = tpu.memref_slice %arg4[%mul3A_431, %dma_start3A_432] : memref<16384x64xf32, #tpu.memory_space<hbm>> -> memref<512x64xf32, #tpu.memory_space<hbm>>
      %dma_start3A_434 = arith.constant 0 : i32
      %dma_start3A_435 = tpu.memref_slice %arg4[%mul3A_431, %dma_start3A_434] : memref<16384x64xf32, #tpu.memory_space<hbm>> -> memref<512x64xf32, #tpu.memory_space<hbm>>
      tpu.enqueue_dma source(%arg7 : memref<512x64xf32, #tpu.memory_space<vmem>>) target(%dma_start3A_435 : memref<512x64xf32, #tpu.memory_space<hbm>>) target_semaphore(%run_scoped3A : memref<!tpu.dma_semaphore, #tpu.memory_space<semaphore_mem>>)
      %dma_wait3A_436 = arith.constant 0 : i32
      %dma_wait3A_437 = tpu.memref_slice %arg4[%mul3A_431, %dma_wait3A_436] : memref<16384x64xf32, #tpu.memory_space<hbm>> -> memref<512x64xf32, #tpu.memory_space<hbm>>
      %dma_wait3A_438 = arith.constant 0 : i32
      %dma_wait3A_439 = tpu.memref_slice %arg4[%mul3A_431, %dma_wait3A_438] : memref<16384x64xf32, #tpu.memory_space<hbm>> -> memref<512x64xf32, #tpu.memory_space<hbm>>
      tpu.wait_dma2 semaphore(%run_scoped3A : memref<!tpu.dma_semaphore, #tpu.memory_space<semaphore_mem>>) src(%arg7 : memref<512x64xf32, #tpu.memory_space<vmem>>) dst(%dma_wait3A_439 : memref<512x64xf32, #tpu.memory_space<hbm>>)
      tpu.yield
    }) : () -> ()
    return
  }
}

</mosaic_0001>

<sc_bundles>
// kernel: kernel.3.cloned.1.call-start
scs
__scs_entry_jumppad:
0x0: {  	(pc) =	sbr.rel $0x88, $3  }
0x1: {  	(tag) =	ssettag $0x0;
	lr =	simm.s32 $0x1  }
0x2: {  	[smem:$0x3F9F] =	sst lr;
	_ =	strace $0xD0000000  }
0x3: {  	_ = 	snop  }
0x4: {  	_ = 	snop  }
0x5: {  	_ = 	snop  }
0x6: {  	_ = 	snop  }
0x7: {  	_ = 	snop  }
__scs_overlays_trampoline_lowered:
0x8: {  	[smem:$0x3FAE] =	sst s0  }
0x9: {  	[smem:$0x3FAF] =	sst s1  }
0xa: {  	[smem:$0x3FB0] =	sst s2  }
0xb: {  	[smem:$0x3FB1] =	sst s3  }
0xc: {  	[smem:$0x3FB2] =	sst s4  }
0xd: {  	[smem:$0x3FB3] =	sst s5  }
0xe: {  	[smem:$0x3FB4] =	sst s6  }
0xf: {  	[smem:$0x3FB5] =	sst s7  }
0x10: {  	[smem:$0x3FB6] =	sst s8  }
0x11: {  	[smem:$0x3FB7] =	sst s9;
	s0 =	simm.s32 @!p0 $0x0  }
0x12: {  	s1 =	sld [smem:$0x3F9D];
	s0 =	simm.s32 @p0 $0x1  }
0x13: {  	[smem:$0x3FB8] =	sst s0;
	s0 =	simm.s32 @!p1 $0x0  }
0x14: {  	s2 =	sld [smem:$0x3F9C];
	s0 =	simm.s32 @p1 $0x1  }
0x15: {  	[smem:$0x3FB9] =	sst s0;
	s0 =	simm.s32 @!p2 $0x0  }
0x16: {  	s3 =	sld [smem:$0x3FDB];
	s0 =	simm.s32 @p2 $0x1  }
0x17: {  	s4 =	simm.s32 $0x1BF5;
	[smem:$0x3FBB] =	sst s0  }
0x18: {  	s0 =	sld [smem:$0x3F9E];
	_ =	swait.ge [sflag:s4], $0x0  }
0x19: {  	s7 =	sld [smem:$0x3F9F]  }
0x1a: {  	s8 =	sadd.s32 $0xFFFFE003, lr  }
0x1b: {  	s9 =	sadd.s32 $0xFFFFFEF7, lr;
	s5 =	simm.s32 $0xFFFFFFFF;
	p2 =	slt.u32 s8, $0xFFFFF086  }
0x1c: {  	p1 =	slt.u32 s9, $0xF7A;
	s5 =	simm.s32 @!p2 $0x0  }
0x1d: {  	s5 =	simm.s32 @p1 $0x1;
	p0 =	seq.s32 s7, s2  }
0x1e: {  	s7 =	smul.u32 @!p0 $0xF7A, s2;
	p2 =	seq.s32 @!p0 s5, $0x0  }
0x1f: {  	s9 =	smul.u32 $0xF7A, s1;
	s8 =	simm.s32 @!p0 $0x1BF5;
	p2 =	por !p2, p0  }
0x20: {  	[sflag:s8] =	ssyncset.s32 @!p0 $0xFFFFF086;
	s6 =	sadd.s32 @!p0 s3, s7;
	s7 =	simm.s32 @!p0 $0x108  }
0x21: {  	s3 =	sadd.s32 s3, s9;
	s6 =	sadd.s32 @!p0 $0x88, s6;
	s7 =	simm.s32 @p2 $0x1082  }
0x22: {  	[simem:s7], [sflag:s8] =	dma.local @!p0 [hbm:s6], $0xF7A  }
0x23: {  	s9 =	sor.u32 $0xD0000000, s2;
	s6 =	simm.s32 $0x108;
	_ =	swait.ge @!p0 [sflag:s8], $0x0  }
0x24: {  	s3 =	sadd.s32 $0x88, s3;
	s6 =	simm.s32 @!p1 $0x1082;
	[sflag:s4] =	ssyncset.s32 $0xFFFFF086  }
0x25: {  	[simem:s6], [sflag:s4] =	dma.local [hbm:s3], $0xF7A  }
0x26: {  	[smem:$0x3F9F] =	sst s1;
	(tag) =	ssettag s2;
	_ =	strace s9  }
0x27: {  	s1 =	sld [smem:$0x3FAF]  }
0x28: {  	s2 =	sld [smem:$0x3FB0]  }
0x29: {  	s4 =	sld [smem:$0x3FB2]  }
0x2a: {  	p0 =	seq.s32 s5, $0x0;
	s5 =	sld [smem:$0x3FB3]  }
0x2b: {  	s6 =	sld [smem:$0x3FB4]  }
0x2c: {  	s7 =	sld [smem:$0x3FB5]  }
0x2d: {  	s3 =	simm.s32 $0x108;
	s8 =	sld [smem:$0x3FB6]  }
0x2e: {  	s3 =	simm.s32 @!p0 $0x1082;
	s9 =	sld [smem:$0x3FB7]  }
0x2f: {  	lr =	sadd.s32 s0, s3;
	s0 =	sld [smem:$0x3FAE]  }
0x30: {  	s3 =	sld [smem:$0x3FB1]  }
0x31: {  	[smem:$0x3FBA] =	sst s10  }
0x32: {  	s10 =	sld [smem:$0x3FB8];
	_ =	sdelay $0x3  }
0x33: {  	p0 =	seq.s32 s10, $0x1;
	s10 =	sld [smem:$0x3FBA];
	_ =	sdelay $0x3  }
0x34: {  	[smem:$0x3FBA] =	sst s10  }
0x35: {  	s10 =	sld [smem:$0x3FB9];
	_ =	sdelay $0x3  }
0x36: {  	p1 =	seq.s32 s10, $0x1;
	s10 =	sld [smem:$0x3FBA];
	_ =	sdelay $0x3  }
0x37: {  	[smem:$0x3FBA] =	sst s10  }
0x38: {  	s10 =	sld [smem:$0x3FBB]  }
0x39: {  	_ = 	snop;
	(pc) =	sbr.ind lr, $3  }
0x3a: {  	_ = 	snop  }
0x3b: {  	_ = 	snop  }
0x3c: {  	p2 =	seq.s32 s10, $0x1;
	s10 =	sld [smem:$0x3FBA]  }
0x3d: {  	_ =	shalt  }
0x3e: {  	_ =	shalt  }
0x3f: {  	_ =	shalt  }
0x40: {  	_ =	shalt  }
0x41: {  	_ =	shalt  }
0x42: {  	_ =	shalt  }
0x43: {  	_ =	shalt  }
0x44: {  	_ =	shalt  }
0x45: {  	_ =	shalt  }
0x46: {  	_ =	shalt  }
0x47: {  	_ =	shalt  }
0x48: {  	_ =	shalt  }
0x49: {  	_ =	shalt  }
0x4a: {  	_ =	shalt  }
0x4b: {  	_ =	shalt  }
0x4c: {  	_ =	shalt  }
0x4d: {  	_ =	shalt  }
0x4e: {  	_ =	shalt  }
0x4f: {  	_ =	shalt  }
0x50: {  	_ =	shalt  }
0x51: {  	_ =	shalt  }
0x52: {  	_ =	shalt  }
0x53: {  	_ =	shalt  }
0x54: {  	_ =	shalt  }
0x55: {  	_ =	shalt  }
0x56: {  	_ =	shalt  }
0x57: {  	_ =	shalt  }
0x58: {  	_ =	shalt  }
0x59: {  	_ =	shalt  }
0x5a: {  	_ =	shalt  }
0x5b: {  	_ =	shalt  }
0x5c: {  	_ =	shalt  }
0x5d: {  	_ =	shalt  }
0x5e: {  	_ =	shalt  }
0x5f: {  	_ =	shalt  }
0x60: {  	_ =	shalt  }
0x61: {  	_ =	shalt  }
0x62: {  	_ =	shalt  }
0x63: {  	_ =	shalt  }
0x64: {  	_ =	shalt  }
0x65: {  	_ =	shalt  }
0x66: {  	_ =	shalt  }
0x67: {  	_ =	shalt  }
0x68: {  	_ =	shalt  }
0x69: {  	_ =	shalt  }
0x6a: {  	_ =	shalt  }
0x6b: {  	_ =	shalt  }
0x6c: {  	_ =	shalt  }
0x6d: {  	_ =	shalt  }
0x6e: {  	_ =	shalt  }
0x6f: {  	_ =	shalt  }
0x70: {  	_ =	shalt  }
0x71: {  	_ =	shalt  }
0x72: {  	_ =	shalt  }
0x73: {  	_ =	shalt  }
0x74: {  	_ =	shalt  }
0x75: {  	_ =	shalt  }
0x76: {  	_ =	shalt  }
0x77: {  	_ =	shalt  }
0x78: {  	_ =	shalt  }
0x79: {  	_ =	shalt  }
0x7a: {  	_ =	shalt  }
0x7b: {  	_ =	shalt  }
0x7c: {  	_ =	shalt  }
0x7d: {  	_ =	shalt  }
0x7e: {  	_ =	shalt  }
0x7f: {  	_ =	shalt  }
0x80: {  	_ =	shalt  }
0x81: {  	_ =	shalt  }
0x82: {  	_ =	shalt  }
0x83: {  	_ =	shalt  }
0x84: {  	_ =	shalt  }
0x85: {  	_ =	shalt  }
0x86: {  	_ =	shalt  }
0x87: {  	_ =	shalt  }
.Lfunc_end0:
.L_simem_size_0:
called_computation_lowered:
.L_overlay_start_0:
0x88: {  	s2 =	sld [smem:$0x3FD9]  }
0x89: {  	s3 =	sld [smem:$0x3FFE];
	_ =	sdelay $0x1  }
0x8a: {  	s1 =	srdreg.scid  }
0x8b: {  	s0 =	sand.u32 $0x1, s1  }
0x8c: {  	s17 =	sshll.u32 s0, $0xA;
	s2 =	sadd.s32 s3, s2  }
0x8d: {  	s2 =	sadd.s32 s2, s17  }
0x8e: {  	[smem:$0x3FC6] =	sst s2  }
0x8f: {  	_ = 	snop  }
0x90: {  	s2 =	sld [smem:$0x3FD0];
	(tm) =	ssettm $0x1  }
0x91: {  	s18 =	sld [smem:$0x3FFB];
	_ =	sdelay $0x3  }
0x92: {  	_ =	strace s18  }
0x93: {  	s3 =	sld [smem:$0x3FFC];
	_ =	sdelay $0x3  }
0x94: {  	_ =	strace s3  }
0x95: {  	s3 =	sld [smem:$0x3FFD];
	_ =	sdelay $0x3  }
0x96: {  	_ =	strace s3  }
0x97: {  	_ =	strace $0x8FFFFFFF  }
0x98: {  	s19 =	sld [smem:$0x3FDB];
	_ =	sdelay $0x1  }
0x99: {  	s4 =	simm.s32 $_scs_section_size  }
0x9a: {  	s5 =	simm.s32 $_size__tile_overlayer_lowered;
	s6 =	simm.s32 $_tile_overlayer_lowered  }
0x9b: {  	s22 =	simm.s32 $0x1BFF;
	s21 =	sshll.u32 s6, $0x1;
	s3 =	sadd.s32 s4, s19  }
0x9c: {  	s7 =	simm.s32 $0x0;
	s20 =	sshll.u32 s5, $0x1;
	s5 =	sadd.s32 s21, s3  }
0x9d: {  	[timem:s7], [sflag:s22] =	dma.local [hbm:s5], s20  }
0x9e: {  	_ =	swait.ge [sflag:s22], s20  }
0x9f: {  	s4 =	ssub.s32 $0x0, s20;
	[sflag:s22] =	ssyncset.done $0x0  }
0xa0: {  	[sflag:s22] =	ssyncadd.s32 s4;
	_ =	sdelay $0x1  }
0xa1: {  	s23 =	simm.s32 $0x1B8B  }
0xa2: {  	_ =	swait.ge [sflag:s23], $0x1  }
0xa3: {  	[sflag:s23] =	ssyncset.done $0x0  }
0xa4: {  	s25 =	simm.s32 $0x1B8E;
	s24 =	sld [smem:$0x3FFE];
	[sflag:s23] =	ssyncadd.s32 $0xFFFFFFFF  }
0xa5: {  	s26 =	simm.s32 $execute0_lowered;
	[smem:$0x3FD2] =	sst s25  }
0xa6: {  	s5 =	sshll.u32 s26, $0x1;
	_ =	strace $0x80000046;
	[dreg:$0x1] =	wrdreg $0xFFFFFFFF  }
0xa7: {  	s28 =	simm.s32 $_size_execute0_lowered;
	s3 =	sadd.s32 s3, s5;
	[dreg:$0x0] =	wrdreg $0x0  }
0xa8: {  	s5 =	sshll.u32 s28, $0x1;
	[dreg:$0x2] =	wrdreg s3  }
0xa9: {  	[dreg:$0x3] =	wrdreg s5  }
0xaa: {  	[dreg:$0x4] =	wrdreg $0xC0  }
0xab: {  	_ =	task [dreg:s7], $0x5FFFF  }
0xac: {  	[dreg:$0x1] =	wrdreg $0xFFFFFFFF  }
0xad: {  	[dreg:$0x0] =	wrdreg $0x60  }
0xae: {  	[dreg:$0x2] =	wrdreg s24  }
0xaf: {  	[dreg:$0x3] =	wrdreg s2  }
0xb0: {  	[dreg:$0x4] =	wrdreg $0x9  }
0xb1: {  	_ =	task.clear_ibuf [dreg:s7], $0x5FFFF;
	_ =	strace $0x90000046  }
0xb2: {  	s29 =	simm.s32 $0x9;
	_ =	strace $0x80000048  }
0xb3: {  	_ =	swait.ge [sflag:s29], $0x1  }
0xb4: {  	[sflag:s29] =	ssyncadd.s32 $0xFFFFFFFF  }
0xb5: {  	_ =	strace $0x90000048  }
0xb6: {  	_ =	sfence  }
0xb7: {  	s30 =	sld [smem:$0x0];
	_ =	sdelay $0x2  }
0xb8: {  	s31 =	sshll.u32 s1, $0xD;
	s1 =	sshrl.u32 s1, $0x2  }
0xb9: {  	s3 =	sand.u32 $0x4000, s31;
	s1 =	sadd.s32 s1, s30  }
0xba: {  	s0 =	sor.u32 s3, s0;
	s1 =	sshll.u32 s1, $0x11  }
0xbb: {  	s0 =	sor.u32 s1, s0  }
0xbc: {  	s0 =	sadd.s32 $0x8F2B, s0  }
0xbd: {  	[sflag:s0] =	ssyncadd.remote.s32 $0x1  }
0xbe: {  	_ =	sfence.sel $0xFFFF  }
0xbf: {  	[dreg:$0x0] =	wrdreg $0xFFFFFFFF;
	(pc) =	sbr.abs _section_cstart, $3  }
0xc0: {  	[dreg:$0x1] =	wrdreg $0xFFFFFFFF  }
0xc1: {  	_ =	task.clear_ibuf [dreg:s7], $0x2FFFF;
	_ =	strace $0x9FFFFFFF  }
0xc2: {  	(tm) =	ssettm $0x7FFFFFFF  }
0xc3: {  	_ =	shalt  }
tec
execute0_lowered:
.L_overlay_start_1:
0x0: {  	(tag) =	ssettag $0x1  }
0x1: {  	v0 =	vlaneseq.u32  }
0x2: {  	v0 =	vmul.u32 $0x32, v0;
	_ =	sdelay $0x1  }
0x3: {  	v1 =	vadd.s32 $0x320, v0  }
0x4: {  	s4 =	rddreg [dreg:$0x0];
	v2 =	vadd.s32 $0x640, v0;
	v3 =	vadd.s32 $0x960, v0;
	v4 =	vadd.s32 $0xC80, v0  }
0x5: {  	s1 =	srdreg.scid;
	s0 =	stileid.u32;
	v5 =	vadd.s32 $0xFA0, v0;
	v6 =	vadd.s32 $0x12C0, v0;
	v7 =	vadd.s32 $0x15E0, v0  }
0x6: {  	s5 =	rddreg [dreg:$0x1];
	s2 =	simm.s32 $0x0;
	s10 =	simm.s32 $0xC800;
	v8 =	vadd.s32 $0x1900, v0;
	v9 =	vadd.s32 $0x1C20, v0;
	v10 =	vadd.s32 $0x1F40, v0  }
0x7: {  	s11 =	simm.s32 $0x1;
	s3 =	sand.u32 $0x1, s1;
	s1 =	rddreg [dreg:$0x2];
	v11 =	vadd.s32 $0x2260, v0;
	v12 =	vadd.s32 $0x2580, v0;
	v13 =	vadd.s32 $0x28A0, v0  }
0x8: {  	s12 =	simm.s32 $0x0;
	s6 =	sshll.u32 s0, $0x1;
	[smem:$0x7FF] =	sst s2;
	v14 =	vadd.s32 $0x2BC0, v0;
	v15 =	vadd.s32 $0x2EE0, v0;
	v16 =	vadd.s32 $0x3200, v0  }
0x9: {  	s6 =	sor.u32 s3, s6;
	s8 =	ssub.s32 $0x2, s3;
	_ =	strace $0x80000047;
	v17 =	vadd.s32 $0x3520, v0;
	v18 =	vadd.s32 $0x3840, v0;
	v19 =	vadd.s32 $0x3B60, v0  }
0xa: {  	s7 =	smul.u32 $0xC80, s6;
	s9 =	sshrl.u32 s8, $0x1;
	s6 =	sshll.u32 s6, $0xC;
	v20 =	vadd.s32 $0x3E80, v0;
	v21 =	vadd.s32 $0x41A0, v0;
	v22 =	vadd.s32 $0x44C0, v0  }
0xb: {  	s3 =	sadd.s32 $0x187000, s4;
	v23 =	vadd.s32 $0x47E0, v0;
	v24 =	vadd.s32 $0x4B00, v0;
	v25 =	vadd.s32 $0x4E20, v0;
	s31 =	ssub.s32 s8, s9;
	s5 =	sadd.s32 s5, s6  }
0xc: {  	v26 =	vadd.s32 $0x5140, v0;
	v27 =	vadd.s32 $0x5460, v0;
	v28 =	vadd.s32 $0x5780, v0;
	s8 =	simm.s32 $0x200;
	s9 =	simm.s32 $0x6400;
	s4 =	sadd.s32 s7, s4  }
0xd: {  	v29 =	vadd.s32 $0x5AA0, v0;
	v30 =	vadd.s32 $0x5DC0, v0;
	v31 =	vadd.s32 $0x60E0, v0;
	s6 =	smax.u32 s31, $0x1;
	s7 =	simm.s32 $0x2;
	s4 =	sadd.s32 $0x600, s4  }
.LBB2_1:
0xe: {  	[tilespmem:s2], [sflag:$0x2] =	stream.linear.gather [hbm4b:s4+s2], $0x6400, $0x38;
	[tilespmem:$0x14800] =	vst v63  }
0xf: {  	_ =	swait.ge [sflag:s7], $0x6400  }
0x10: {  	[sflag:s7] =	ssyncset.done $0x0  }
0x11: {  	[sflag:s7] =	ssyncadd.s32 $0xFFFF9C00  }
0x12: {  	v32 =	vld.idx.msk [tilespmem:v0+s2+$0x0], $0xffff;
	_ =	sdelay $0x4  }
0x13: {  	[tilespmem:$0x6400] =	vst v32  }
0x14: {  	v32 =	vld.idx.msk [tilespmem:v1+s2+$0x0], $0xffff;
	_ =	sdelay $0x4  }
0x15: {  	[tilespmem:$0x6410] =	vst v32  }
0x16: {  	v32 =	vld.idx.msk [tilespmem:v2+s2+$0x0], $0xffff;
	_ =	sdelay $0x4  }
0x17: {  	[tilespmem:$0x6420] =	vst v32  }
0x18: {  	v32 =	vld.idx.msk [tilespmem:v3+s2+$0x0], $0xffff;
	_ =	sdelay $0x4  }
0x19: {  	[tilespmem:$0x6430] =	vst v32  }
0x1a: {  	v32 =	vld.idx.msk [tilespmem:v4+s2+$0x0], $0xffff;
	_ =	sdelay $0x4  }
0x1b: {  	[tilespmem:$0x6440] =	vst v32  }
0x1c: {  	v32 =	vld.idx.msk [tilespmem:v5+s2+$0x0], $0xffff;
	_ =	sdelay $0x4  }
0x1d: {  	[tilespmem:$0x6450] =	vst v32  }
0x1e: {  	v32 =	vld.idx.msk [tilespmem:v6+s2+$0x0], $0xffff;
	_ =	sdelay $0x4  }
0x1f: {  	[tilespmem:$0x6460] =	vst v32  }
0x20: {  	v32 =	vld.idx.msk [tilespmem:v7+s2+$0x0], $0xffff;
	_ =	sdelay $0x4  }
0x21: {  	[tilespmem:$0x6470] =	vst v32  }
0x22: {  	v32 =	vld.idx.msk [tilespmem:v8+s2+$0x0], $0xffff;
	_ =	sdelay $0x4  }
0x23: {  	[tilespmem:$0x6480] =	vst v32  }
0x24: {  	v32 =	vld.idx.msk [tilespmem:v9+s2+$0x0], $0xffff;
	_ =	sdelay $0x4  }
0x25: {  	[tilespmem:$0x6490] =	vst v32  }
0x26: {  	v32 =	vld.idx.msk [tilespmem:v10+s2+$0x0], $0xffff;
	_ =	sdelay $0x4  }
0x27: {  	[tilespmem:$0x64A0] =	vst v32  }
0x28: {  	v32 =	vld.idx.msk [tilespmem:v11+s2+$0x0], $0xffff;
	_ =	sdelay $0x4  }
0x29: {  	[tilespmem:$0x64B0] =	vst v32  }
0x2a: {  	v32 =	vld.idx.msk [tilespmem:v12+s2+$0x0], $0xffff;
	_ =	sdelay $0x4  }
0x2b: {  	[tilespmem:$0x64C0] =	vst v32  }
0x2c: {  	v32 =	vld.idx.msk [tilespmem:v13+s2+$0x0], $0xffff;
	_ =	sdelay $0x4  }
0x2d: {  	[tilespmem:$0x64D0] =	vst v32  }
0x2e: {  	v32 =	vld.idx.msk [tilespmem:v14+s2+$0x0], $0xffff;
	_ =	sdelay $0x4  }
0x2f: {  	[tilespmem:$0x64E0] =	vst v32  }
0x30: {  	v32 =	vld.idx.msk [tilespmem:v15+s2+$0x0], $0xffff;
	_ =	sdelay $0x4  }
0x31: {  	[tilespmem:$0x64F0] =	vst v32  }
0x32: {  	v32 =	vld.idx.msk [tilespmem:v16+s2+$0x0], $0xffff;
	_ =	sdelay $0x4  }
0x33: {  	[tilespmem:$0x6500] =	vst v32  }
0x34: {  	v32 =	vld.idx.msk [tilespmem:v17+s2+$0x0], $0xffff;
	_ =	sdelay $0x4  }
0x35: {  	[tilespmem:$0x6510] =	vst v32  }
0x36: {  	v32 =	vld.idx.msk [tilespmem:v18+s2+$0x0], $0xffff;
	_ =	sdelay $0x4  }
0x37: {  	[tilespmem:$0x6520] =	vst v32  }
0x38: {  	v32 =	vld.idx.msk [tilespmem:v19+s2+$0x0], $0xffff;
	_ =	sdelay $0x4  }
0x39: {  	[tilespmem:$0x6530] =	vst v32  }
0x3a: {  	v32 =	vld.idx.msk [tilespmem:v20+s2+$0x0], $0xffff;
	_ =	sdelay $0x4  }
0x3b: {  	[tilespmem:$0x6540] =	vst v32  }
0x3c: {  	v32 =	vld.idx.msk [tilespmem:v21+s2+$0x0], $0xffff;
	_ =	sdelay $0x4  }
0x3d: {  	[tilespmem:$0x6550] =	vst v32  }
0x3e: {  	v32 =	vld.idx.msk [tilespmem:v22+s2+$0x0], $0xffff;
	_ =	sdelay $0x4  }
0x3f: {  	[tilespmem:$0x6560] =	vst v32  }
0x40: {  	v32 =	vld.idx.msk [tilespmem:v23+s2+$0x0], $0xffff;
	_ =	sdelay $0x4  }
0x41: {  	[tilespmem:$0x6570] =	vst v32  }
0x42: {  	v32 =	vld.idx.msk [tilespmem:v24+s2+$0x0], $0xffff;
	_ =	sdelay $0x4  }
0x43: {  	[tilespmem:$0x6580] =	vst v32  }
0x44: {  	v32 =	vld.idx.msk [tilespmem:v25+s2+$0x0], $0xffff;
	_ =	sdelay $0x4  }
0x45: {  	[tilespmem:$0x6590] =	vst v32  }
0x46: {  	v32 =	vld.idx.msk [tilespmem:v26+s2+$0x0], $0xffff;
	_ =	sdelay $0x4  }
0x47: {  	[tilespmem:$0x65A0] =	vst v32  }
0x48: {  	v32 =	vld.idx.msk [tilespmem:v27+s2+$0x0], $0xffff;
	_ =	sdelay $0x4  }
0x49: {  	[tilespmem:$0x65B0] =	vst v32  }
0x4a: {  	v32 =	vld.idx.msk [tilespmem:v28+s2+$0x0], $0xffff;
	_ =	sdelay $0x4  }
0x4b: {  	[tilespmem:$0x65C0] =	vst v32  }
0x4c: {  	v32 =	vld.idx.msk [tilespmem:v29+s2+$0x0], $0xffff;
	_ =	sdelay $0x4  }
0x4d: {  	[tilespmem:$0x65D0] =	vst v32  }
0x4e: {  	v32 =	vld.idx.msk [tilespmem:v30+s2+$0x0], $0xffff;
	_ =	sdelay $0x4  }
0x4f: {  	[tilespmem:$0x65E0] =	vst v32  }
0x50: {  	v32 =	vld.idx.msk [tilespmem:v31+s2+$0x0], $0xffff;
	_ =	sdelay $0x4  }
0x51: {  	v61 =	vadd.s32 s11, v0;
	[tilespmem:$0x65F0] =	vst v32  }
0x52: {  	[tilespmem:s10], [sflag:$0x1] =	stream.indirect.gather [hbm4b:s3+s8], $0x40, s9, s8, $0xb8;
	[tilespmem:$0x14800] =	vst v63  }
0x53: {  	_ =	swait.ge [sflag:s11], $0x8000  }
0x54: {  	[sflag:s11] =	ssyncset.done $0x0  }
0x55: {  	[sflag:s11] =	ssyncadd.s32 $0xFFFF8000  }
0x56: {  	s13 =	simm.s32 $0x321;
	v32 =	vld.idx.msk [tilespmem:v61+s2+$0x0], $0xffff  }
0x57: {  	v33 =	vadd.s32 s13, v0;
	_ =	sdelay $0x2  }
0x58: {  	s13 =	simm.s32 $0x6600  }
0x59: {  	[tilespmem:s13+$0x0] =	vst v32  }
0x5a: {  	s14 =	simm.s32 $0x641;
	v32 =	vld.idx.msk [tilespmem:v33+s2+$0x0], $0xffff  }
0x5b: {  	v62 =	vadd.s32 s14, v0;
	_ =	sdelay $0x3  }
0x5c: {  	[tilespmem:s13+$0x10] =	vst v32  }
0x5d: {  	s18 =	simm.s32 $0x961;
	v32 =	vld.idx.msk [tilespmem:v62+s2+$0x0], $0xffff  }
0x5e: {  	v63 =	vadd.s32 s18, v0;
	_ =	sdelay $0x3  }
0x5f: {  	[tilespmem:s13+$0x20] =	vst v32  }
0x60: {  	s19 =	simm.s32 $0xC81;
	v32 =	vld.idx.msk [tilespmem:v63+s2+$0x0], $0xffff  }
0x61: {  	v36 =	vadd.s32 s19, v0;
	_ =	sdelay $0x3  }
0x62: {  	[tilespmem:s13+$0x30] =	vst v32  }
0x63: {  	s20 =	simm.s32 $0xFA1;
	v32 =	vld.idx.msk [tilespmem:v36+s2+$0x0], $0xffff  }
0x64: {  	v37 =	vadd.s32 s20, v0;
	_ =	sdelay $0x3  }
0x65: {  	[tilespmem:s13+$0x40] =	vst v32  }
0x66: {  	s21 =	simm.s32 $0x12C1;
	v32 =	vld.idx.msk [tilespmem:v37+s2+$0x0], $0xffff  }
0x67: {  	v38 =	vadd.s32 s21, v0;
	_ =	sdelay $0x3  }
0x68: {  	[tilespmem:s13+$0x50] =	vst v32  }
0x69: {  	s22 =	simm.s32 $0x15E1;
	v32 =	vld.idx.msk [tilespmem:v38+s2+$0x0], $0xffff  }
0x6a: {  	v39 =	vadd.s32 s22, v0;
	_ =	sdelay $0x3  }
0x6b: {  	[tilespmem:s13+$0x60] =	vst v32  }
0x6c: {  	s23 =	simm.s32 $0x1901;
	v32 =	vld.idx.msk [tilespmem:v39+s2+$0x0], $0xffff  }
0x6d: {  	v40 =	vadd.s32 s23, v0;
	_ =	sdelay $0x3  }
0x6e: {  	[tilespmem:s13+$0x70] =	vst v32  }
0x6f: {  	s24 =	simm.s32 $0x1C21;
	v32 =	vld.idx.msk [tilespmem:v40+s2+$0x0], $0xffff  }
0x70: {  	v41 =	vadd.s32 s24, v0;
	_ =	sdelay $0x3  }
0x71: {  	[tilespmem:s13+$0x80] =	vst v32  }
0x72: {  	s25 =	simm.s32 $0x1F41;
	v32 =	vld.idx.msk [tilespmem:v41+s2+$0x0], $0xffff  }
0x73: {  	v42 =	vadd.s32 s25, v0;
	_ =	sdelay $0x3  }
0x74: {  	[tilespmem:s13+$0x90] =	vst v32  }
0x75: {  	s26 =	simm.s32 $0x2261;
	v32 =	vld.idx.msk [tilespmem:v42+s2+$0x0], $0xffff  }
0x76: {  	v43 =	vadd.s32 s26, v0;
	_ =	sdelay $0x3  }
0x77: {  	[tilespmem:s13+$0xA0] =	vst v32  }
0x78: {  	s28 =	simm.s32 $0x2581;
	v32 =	vld.idx.msk [tilespmem:v43+s2+$0x0], $0xffff  }
0x79: {  	v44 =	vadd.s32 s28, v0;
	_ =	sdelay $0x3  }
0x7a: {  	[tilespmem:s13+$0xB0] =	vst v32  }
0x7b: {  	s29 =	simm.s32 $0x28A1;
	v32 =	vld.idx.msk [tilespmem:v44+s2+$0x0], $0xffff  }
0x7c: {  	v45 =	vadd.s32 s29, v0;
	_ =	sdelay $0x3  }
0x7d: {  	[tilespmem:s13+$0xC0] =	vst v32  }
0x7e: {  	s30 =	simm.s32 $0x2BC1;
	v32 =	vld.idx.msk [tilespmem:v45+s2+$0x0], $0xffff  }
0x7f: {  	v46 =	vadd.s32 s30, v0;
	_ =	sdelay $0x3  }
0x80: {  	[tilespmem:s13+$0xD0] =	vst v32  }
0x81: {  	s31 =	simm.s32 $0x2EE1;
	v32 =	vld.idx.msk [tilespmem:v46+s2+$0x0], $0xffff  }
0x82: {  	v47 =	vadd.s32 s31, v0;
	_ =	sdelay $0x3  }
0x83: {  	[tilespmem:s13+$0xE0] =	vst v32  }
0x84: {  	s15 =	simm.s32 $0x3201;
	v32 =	vld.idx.msk [tilespmem:v47+s2+$0x0], $0xffff  }
0x85: {  	v48 =	vadd.s32 s15, v0;
	_ =	sdelay $0x3  }
0x86: {  	[tilespmem:s13+$0xF0] =	vst v32  }
0x87: {  	s16 =	simm.s32 $0x3521;
	v32 =	vld.idx.msk [tilespmem:v48+s2+$0x0], $0xffff  }
0x88: {  	v49 =	vadd.s32 s16, v0;
	_ =	sdelay $0x3  }
0x89: {  	[tilespmem:s13+$0x100] =	vst v32  }
0x8a: {  	s17 =	simm.s32 $0x3841;
	v32 =	vld.idx.msk [tilespmem:v49+s2+$0x0], $0xffff  }
0x8b: {  	v50 =	vadd.s32 s17, v0;
	_ =	sdelay $0x3  }
0x8c: {  	[tilespmem:s13+$0x110] =	vst v32  }
0x8d: {  	s18 =	simm.s32 $0x3B61;
	v32 =	vld.idx.msk [tilespmem:v50+s2+$0x0], $0xffff  }
0x8e: {  	v51 =	vadd.s32 s18, v0;
	_ =	sdelay $0x3  }
0x8f: {  	[tilespmem:s13+$0x120] =	vst v32  }
0x90: {  	s19 =	simm.s32 $0x3E81;
	v32 =	vld.idx.msk [tilespmem:v51+s2+$0x0], $0xffff  }
0x91: {  	v52 =	vadd.s32 s19, v0;
	_ =	sdelay $0x3  }
0x92: {  	[tilespmem:s13+$0x130] =	vst v32  }
0x93: {  	s20 =	simm.s32 $0x41A1;
	v32 =	vld.idx.msk [tilespmem:v52+s2+$0x0], $0xffff  }
0x94: {  	v53 =	vadd.s32 s20, v0;
	_ =	sdelay $0x3  }
0x95: {  	[tilespmem:s13+$0x140] =	vst v32  }
0x96: {  	s21 =	simm.s32 $0x44C1;
	v32 =	vld.idx.msk [tilespmem:v53+s2+$0x0], $0xffff  }
0x97: {  	v54 =	vadd.s32 s21, v0;
	_ =	sdelay $0x3  }
0x98: {  	[tilespmem:s13+$0x150] =	vst v32  }
0x99: {  	s22 =	simm.s32 $0x47E1;
	v32 =	vld.idx.msk [tilespmem:v54+s2+$0x0], $0xffff  }
0x9a: {  	v55 =	vadd.s32 s22, v0;
	_ =	sdelay $0x3  }
0x9b: {  	[tilespmem:s13+$0x160] =	vst v32  }
0x9c: {  	s23 =	simm.s32 $0x4B01;
	v32 =	vld.idx.msk [tilespmem:v55+s2+$0x0], $0xffff  }
0x9d: {  	v56 =	vadd.s32 s23, v0;
	_ =	sdelay $0x3  }
0x9e: {  	[tilespmem:s13+$0x170] =	vst v32  }
0x9f: {  	s24 =	simm.s32 $0x4E21;
	v32 =	vld.idx.msk [tilespmem:v56+s2+$0x0], $0xffff  }
0xa0: {  	v57 =	vadd.s32 s24, v0;
	_ =	sdelay $0x3  }
0xa1: {  	[tilespmem:s13+$0x180] =	vst v32  }
0xa2: {  	s25 =	simm.s32 $0x5141;
	v32 =	vld.idx.msk [tilespmem:v57+s2+$0x0], $0xffff  }
0xa3: {  	v58 =	vadd.s32 s25, v0;
	_ =	sdelay $0x3  }
0xa4: {  	[tilespmem:s13+$0x190] =	vst v32  }
0xa5: {  	s26 =	simm.s32 $0x5461;
	v32 =	vld.idx.msk [tilespmem:v58+s2+$0x0], $0xffff  }
0xa6: {  	v59 =	vadd.s32 s26, v0;
	_ =	sdelay $0x3  }
0xa7: {  	[tilespmem:s13+$0x1A0] =	vst v32  }
0xa8: {  	s28 =	simm.s32 $0x5781;
	v32 =	vld.idx.msk [tilespmem:v59+s2+$0x0], $0xffff  }
0xa9: {  	v60 =	vadd.s32 s28, v0;
	_ =	sdelay $0x3  }
0xaa: {  	[tilespmem:s13+$0x1B0] =	vst v32  }
0xab: {  	s29 =	simm.s32 $0x5AA1;
	v32 =	vld.idx.msk [tilespmem:v60+s2+$0x0], $0xffff  }
0xac: {  	v61 =	vadd.s32 s29, v0;
	_ =	sdelay $0x3  }
0xad: {  	[tilespmem:s13+$0x1C0] =	vst v32  }
0xae: {  	s30 =	simm.s32 $0x5DC1;
	v32 =	vld.idx.msk [tilespmem:v61+s2+$0x0], $0xffff  }
0xaf: {  	v62 =	vadd.s32 s30, v0;
	_ =	sdelay $0x3  }
0xb0: {  	[tilespmem:s13+$0x1D0] =	vst v32  }
0xb1: {  	s31 =	simm.s32 $0x60E1;
	v32 =	vld.idx.msk [tilespmem:v62+s2+$0x0], $0xffff  }
0xb2: {  	v63 =	vadd.s32 s31, v0;
	_ =	sdelay $0x3  }
0xb3: {  	[tilespmem:s13+$0x1E0] =	vst v32  }
0xb4: {  	s14 =	simm.s32 $0x2;
	v33 =	vld.idx.msk [tilespmem:v63+s2+$0x0], $0xffff  }
0xb5: {  	s15 =	simm.s32 $0x3;
	v32 =	vadd.s32 s14, v0  }
.LBB2_2:
0xb6: {  	p0 =	sne.s32 s15, $0x8;
	_ =	sdelay $0x2  }
0xb7: {  	[tilespmem:s13+$0x1F0] =	vst v33;
	[tilespmem:s10], [sflag:$0x1] =	stream.indirect.gather.add.f32 [hbm:s3], $0x40, s13, s8, $0xb8  }
0xb8: {  	v32 =	vld.idx.msk [tilespmem:v32+s2+$0x0], $0xffff  }
0xb9: {  	s16 =	sadd.s32 $0x320, s14  }
0xba: {  	v33 =	vadd.s32 s16, v0;
	_ =	sdelay $0x2  }
0xbb: {  	s13 =	sadd.s32 $0x200, s13  }
0xbc: {  	[tilespmem:s13+$0x0] =	vst v32  }
0xbd: {  	v32 =	vld.idx.msk [tilespmem:v33+s2+$0x0], $0xffff  }
0xbe: {  	s16 =	sadd.s32 $0x640, s14  }
0xbf: {  	v33 =	vadd.s32 s16, v0;
	_ =	sdelay $0x3  }
0xc0: {  	[tilespmem:s13+$0x10] =	vst v32  }
0xc1: {  	v32 =	vld.idx.msk [tilespmem:v33+s2+$0x0], $0xffff  }
0xc2: {  	s16 =	sadd.s32 $0x960, s14  }
0xc3: {  	v33 =	vadd.s32 s16, v0;
	_ =	sdelay $0x3  }
0xc4: {  	[tilespmem:s13+$0x20] =	vst v32  }
0xc5: {  	v32 =	vld.idx.msk [tilespmem:v33+s2+$0x0], $0xffff  }
0xc6: {  	s16 =	sadd.s32 $0xC80, s14  }
0xc7: {  	v33 =	vadd.s32 s16, v0;
	_ =	sdelay $0x3  }
0xc8: {  	[tilespmem:s13+$0x30] =	vst v32  }
0xc9: {  	v32 =	vld.idx.msk [tilespmem:v33+s2+$0x0], $0xffff  }
0xca: {  	s16 =	sadd.s32 $0xFA0, s14  }
0xcb: {  	v33 =	vadd.s32 s16, v0;
	_ =	sdelay $0x3  }
0xcc: {  	[tilespmem:s13+$0x40] =	vst v32  }
0xcd: {  	v32 =	vld.idx.msk [tilespmem:v33+s2+$0x0], $0xffff  }
0xce: {  	s16 =	sadd.s32 $0x12C0, s14  }
0xcf: {  	v33 =	vadd.s32 s16, v0;
	_ =	sdelay $0x3  }
0xd0: {  	[tilespmem:s13+$0x50] =	vst v32  }
0xd1: {  	v32 =	vld.idx.msk [tilespmem:v33+s2+$0x0], $0xffff  }
0xd2: {  	s16 =	sadd.s32 $0x15E0, s14  }
0xd3: {  	v33 =	vadd.s32 s16, v0;
	_ =	sdelay $0x3  }
0xd4: {  	[tilespmem:s13+$0x60] =	vst v32  }
0xd5: {  	v32 =	vld.idx.msk [tilespmem:v33+s2+$0x0], $0xffff  }
0xd6: {  	s16 =	sadd.s32 $0x1900, s14  }
0xd7: {  	v33 =	vadd.s32 s16, v0;
	_ =	sdelay $0x3  }
0xd8: {  	[tilespmem:s13+$0x70] =	vst v32  }
0xd9: {  	v32 =	vld.idx.msk [tilespmem:v33+s2+$0x0], $0xffff  }
0xda: {  	s16 =	sadd.s32 $0x1C20, s14  }
0xdb: {  	v33 =	vadd.s32 s16, v0;
	_ =	sdelay $0x3  }
0xdc: {  	[tilespmem:s13+$0x80] =	vst v32  }
0xdd: {  	v32 =	vld.idx.msk [tilespmem:v33+s2+$0x0], $0xffff  }
0xde: {  	s16 =	sadd.s32 $0x1F40, s14  }
0xdf: {  	v33 =	vadd.s32 s16, v0;
	_ =	sdelay $0x3  }
0xe0: {  	[tilespmem:s13+$0x90] =	vst v32  }
0xe1: {  	v32 =	vld.idx.msk [tilespmem:v33+s2+$0x0], $0xffff  }
0xe2: {  	s16 =	sadd.s32 $0x2260, s14  }
0xe3: {  	v33 =	vadd.s32 s16, v0;
	_ =	sdelay $0x3  }
0xe4: {  	[tilespmem:s13+$0xA0] =	vst v32  }
0xe5: {  	v32 =	vld.idx.msk [tilespmem:v33+s2+$0x0], $0xffff  }
0xe6: {  	s16 =	sadd.s32 $0x2580, s14  }
0xe7: {  	v33 =	vadd.s32 s16, v0;
	_ =	sdelay $0x3  }
0xe8: {  	[tilespmem:s13+$0xB0] =	vst v32  }
0xe9: {  	v32 =	vld.idx.msk [tilespmem:v33+s2+$0x0], $0xffff  }
0xea: {  	s16 =	sadd.s32 $0x28A0, s14  }
0xeb: {  	v33 =	vadd.s32 s16, v0;
	_ =	sdelay $0x3  }
0xec: {  	[tilespmem:s13+$0xC0] =	vst v32  }
0xed: {  	v32 =	vld.idx.msk [tilespmem:v33+s2+$0x0], $0xffff  }
0xee: {  	s16 =	sadd.s32 $0x2BC0, s14  }
0xef: {  	v33 =	vadd.s32 s16, v0;
	_ =	sdelay $0x3  }
0xf0: {  	[tilespmem:s13+$0xD0] =	vst v32  }
0xf1: {  	v32 =	vld.idx.msk [tilespmem:v33+s2+$0x0], $0xffff  }
0xf2: {  	s16 =	sadd.s32 $0x2EE0, s14  }
0xf3: {  	v33 =	vadd.s32 s16, v0;
	_ =	sdelay $0x3  }
0xf4: {  	[tilespmem:s13+$0xE0] =	vst v32  }
0xf5: {  	v32 =	vld.idx.msk [tilespmem:v33+s2+$0x0], $0xffff  }
0xf6: {  	s16 =	sadd.s32 $0x3200, s14  }
0xf7: {  	v33 =	vadd.s32 s16, v0;
	_ =	sdelay $0x3  }
0xf8: {  	[tilespmem:s13+$0xF0] =	vst v32  }
0xf9: {  	v32 =	vld.idx.msk [tilespmem:v33+s2+$0x0], $0xffff  }
0xfa: {  	s16 =	sadd.s32 $0x3520, s14  }
0xfb: {  	v33 =	vadd.s32 s16, v0;
	_ =	sdelay $0x3  }
0xfc: {  	[tilespmem:s13+$0x100] =	vst v32  }
0xfd: {  	v32 =	vld.idx.msk [tilespmem:v33+s2+$0x0], $0xffff  }
0xfe: {  	s16 =	sadd.s32 $0x3840, s14  }
0xff: {  	v33 =	vadd.s32 s16, v0;
	_ =	sdelay $0x3  }
0x100: {  	[tilespmem:s13+$0x110] =	vst v32  }
0x101: {  	v32 =	vld.idx.msk [tilespmem:v33+s2+$0x0], $0xffff  }
0x102: {  	s16 =	sadd.s32 $0x3B60, s14  }
0x103: {  	v33 =	vadd.s32 s16, v0;
	_ =	sdelay $0x3  }
0x104: {  	[tilespmem:s13+$0x120] =	vst v32  }
0x105: {  	v32 =	vld.idx.msk [tilespmem:v33+s2+$0x0], $0xffff  }
0x106: {  	s16 =	sadd.s32 $0x3E80, s14  }
0x107: {  	v33 =	vadd.s32 s16, v0;
	_ =	sdelay $0x3  }
0x108: {  	[tilespmem:s13+$0x130] =	vst v32  }
0x109: {  	v32 =	vld.idx.msk [tilespmem:v33+s2+$0x0], $0xffff  }
0x10a: {  	s16 =	sadd.s32 $0x41A0, s14  }
0x10b: {  	v33 =	vadd.s32 s16, v0;
	_ =	sdelay $0x3  }
0x10c: {  	[tilespmem:s13+$0x140] =	vst v32  }
0x10d: {  	v32 =	vld.idx.msk [tilespmem:v33+s2+$0x0], $0xffff  }
0x10e: {  	s16 =	sadd.s32 $0x44C0, s14  }
0x10f: {  	v33 =	vadd.s32 s16, v0;
	_ =	sdelay $0x3  }
0x110: {  	[tilespmem:s13+$0x150] =	vst v32  }
0x111: {  	v32 =	vld.idx.msk [tilespmem:v33+s2+$0x0], $0xffff  }
0x112: {  	s16 =	sadd.s32 $0x47E0, s14  }
0x113: {  	v33 =	vadd.s32 s16, v0;
	_ =	sdelay $0x3  }
0x114: {  	[tilespmem:s13+$0x160] =	vst v32  }
0x115: {  	v32 =	vld.idx.msk [tilespmem:v33+s2+$0x0], $0xffff  }
0x116: {  	s16 =	sadd.s32 $0x4B00, s14  }
0x117: {  	v33 =	vadd.s32 s16, v0;
	_ =	sdelay $0x3  }
0x118: {  	[tilespmem:s13+$0x170] =	vst v32  }
0x119: {  	v32 =	vld.idx.msk [tilespmem:v33+s2+$0x0], $0xffff  }
0x11a: {  	s16 =	sadd.s32 $0x4E20, s14  }
0x11b: {  	v33 =	vadd.s32 s16, v0;
	_ =	sdelay $0x3  }
0x11c: {  	[tilespmem:s13+$0x180] =	vst v32  }
0x11d: {  	v32 =	vld.idx.msk [tilespmem:v33+s2+$0x0], $0xffff  }
0x11e: {  	s16 =	sadd.s32 $0x5140, s14  }
0x11f: {  	v33 =	vadd.s32 s16, v0;
	_ =	sdelay $0x3  }
0x120: {  	[tilespmem:s13+$0x190] =	vst v32  }
0x121: {  	v32 =	vld.idx.msk [tilespmem:v33+s2+$0x0], $0xffff  }
0x122: {  	s16 =	sadd.s32 $0x5460, s14  }
0x123: {  	v33 =	vadd.s32 s16, v0;
	_ =	sdelay $0x3  }
0x124: {  	[tilespmem:s13+$0x1A0] =	vst v32  }
0x125: {  	v32 =	vld.idx.msk [tilespmem:v33+s2+$0x0], $0xffff  }
0x126: {  	s16 =	sadd.s32 $0x5780, s14  }
0x127: {  	v33 =	vadd.s32 s16, v0;
	_ =	sdelay $0x3  }
0x128: {  	[tilespmem:s13+$0x1B0] =	vst v32  }
0x129: {  	v32 =	vld.idx.msk [tilespmem:v33+s2+$0x0], $0xffff  }
0x12a: {  	s16 =	sadd.s32 $0x5AA0, s14  }
0x12b: {  	v33 =	vadd.s32 s16, v0;
	_ =	sdelay $0x3  }
0x12c: {  	[tilespmem:s13+$0x1C0] =	vst v32  }
0x12d: {  	v32 =	vld.idx.msk [tilespmem:v33+s2+$0x0], $0xffff  }
0x12e: {  	s16 =	sadd.s32 $0x5DC0, s14  }
0x12f: {  	v33 =	vadd.s32 s16, v0;
	_ =	sdelay $0x3  }
0x130: {  	[tilespmem:s13+$0x1D0] =	vst v32  }
0x131: {  	v32 =	vld.idx.msk [tilespmem:v33+s2+$0x0], $0xffff  }
0x132: {  	s16 =	sadd.s32 $0x60E0, s14;
	s14 =	smov.u32 s15  }
0x133: {  	v33 =	vadd.s32 s16, v0;
	_ =	sdelay $0x2  }
.Ltmp0:
0x134: {  	(pc) =	sbr.rel @p0 .LBB2_2-.Ltmp0, $3  }
0x135: {  	[tilespmem:s13+$0x1E0] =	vst v32  }
0x136: {  	v33 =	vld.idx.msk [tilespmem:v33+s2+$0x0], $0xffff;
	_ =	sdelay $0x1  }
0x137: {  	s15 =	sadd.s32 $0x1, s15;
	v32 =	vadd.s32 s14, v0  }
0x138: {  	_ =	sdelay $0x1  }
0x139: {  	[tilespmem:s13+$0x1F0] =	vst v33  }
0x13a: {  	[tilespmem:s10], [sflag:$0x1] =	stream.indirect.gather.add.f32 [hbm:s3], $0x40, s13, s8, $0xb8;
	[tilespmem:$0x14800] =	vst v63  }
0x13b: {  	s15 =	sadd.s32 $0x320, s14;
	v32 =	vld.idx.msk [tilespmem:v32+s2+$0x0], $0xffff  }
0x13c: {  	v57 =	vadd.s32 s15, v0;
	_ =	sdelay $0x2  }
0x13d: {  	s13 =	sadd.s32 $0x200, s13  }
0x13e: {  	[tilespmem:s13+$0x0] =	vst v32  }
0x13f: {  	s16 =	sadd.s32 $0x640, s14;
	v32 =	vld.idx.msk [tilespmem:v57+s2+$0x0], $0xffff  }
0x140: {  	v58 =	vadd.s32 s16, v0;
	_ =	sdelay $0x3  }
0x141: {  	[tilespmem:s13+$0x10] =	vst v32  }
0x142: {  	s17 =	sadd.s32 $0x960, s14;
	v32 =	vld.idx.msk [tilespmem:v58+s2+$0x0], $0xffff  }
0x143: {  	v59 =	vadd.s32 s17, v0;
	_ =	sdelay $0x3  }
0x144: {  	[tilespmem:s13+$0x20] =	vst v32  }
0x145: {  	s18 =	sadd.s32 $0xC80, s14;
	v32 =	vld.idx.msk [tilespmem:v59+s2+$0x0], $0xffff  }
0x146: {  	v60 =	vadd.s32 s18, v0;
	_ =	sdelay $0x3  }
0x147: {  	[tilespmem:s13+$0x30] =	vst v32  }
0x148: {  	s19 =	sadd.s32 $0xFA0, s14;
	v32 =	vld.idx.msk [tilespmem:v60+s2+$0x0], $0xffff  }
0x149: {  	v61 =	vadd.s32 s19, v0;
	_ =	sdelay $0x3  }
0x14a: {  	[tilespmem:s13+$0x40] =	vst v32  }
0x14b: {  	s20 =	sadd.s32 $0x12C0, s14;
	v32 =	vld.idx.msk [tilespmem:v61+s2+$0x0], $0xffff  }
0x14c: {  	v62 =	vadd.s32 s20, v0;
	_ =	sdelay $0x3  }
0x14d: {  	[tilespmem:s13+$0x50] =	vst v32  }
0x14e: {  	s21 =	sadd.s32 $0x15E0, s14;
	v32 =	vld.idx.msk [tilespmem:v62+s2+$0x0], $0xffff  }
0x14f: {  	v63 =	vadd.s32 s21, v0;
	_ =	sdelay $0x3  }
0x150: {  	[tilespmem:s13+$0x60] =	vst v32  }
0x151: {  	s22 =	sadd.s32 $0x1900, s14;
	v32 =	vld.idx.msk [tilespmem:v63+s2+$0x0], $0xffff  }
0x152: {  	v36 =	vadd.s32 s22, v0;
	_ =	sdelay $0x3  }
0x153: {  	[tilespmem:s13+$0x70] =	vst v32  }
0x154: {  	s23 =	sadd.s32 $0x1C20, s14;
	v32 =	vld.idx.msk [tilespmem:v36+s2+$0x0], $0xffff  }
0x155: {  	v37 =	vadd.s32 s23, v0;
	_ =	sdelay $0x3  }
0x156: {  	[tilespmem:s13+$0x80] =	vst v32  }
0x157: {  	s24 =	sadd.s32 $0x1F40, s14;
	v32 =	vld.idx.msk [tilespmem:v37+s2+$0x0], $0xffff  }
0x158: {  	v38 =	vadd.s32 s24, v0;
	_ =	sdelay $0x3  }
0x159: {  	[tilespmem:s13+$0x90] =	vst v32  }
0x15a: {  	s25 =	sadd.s32 $0x2260, s14;
	v32 =	vld.idx.msk [tilespmem:v38+s2+$0x0], $0xffff  }
0x15b: {  	v39 =	vadd.s32 s25, v0;
	_ =	sdelay $0x3  }
0x15c: {  	[tilespmem:s13+$0xA0] =	vst v32  }
0x15d: {  	s26 =	sadd.s32 $0x2580, s14;
	v32 =	vld.idx.msk [tilespmem:v39+s2+$0x0], $0xffff  }
0x15e: {  	v40 =	vadd.s32 s26, v0;
	_ =	sdelay $0x3  }
0x15f: {  	[tilespmem:s13+$0xB0] =	vst v32  }
0x160: {  	s28 =	sadd.s32 $0x28A0, s14;
	v32 =	vld.idx.msk [tilespmem:v40+s2+$0x0], $0xffff  }
0x161: {  	v41 =	vadd.s32 s28, v0;
	_ =	sdelay $0x3  }
0x162: {  	[tilespmem:s13+$0xC0] =	vst v32  }
0x163: {  	s29 =	sadd.s32 $0x2BC0, s14;
	v32 =	vld.idx.msk [tilespmem:v41+s2+$0x0], $0xffff  }
0x164: {  	v42 =	vadd.s32 s29, v0;
	_ =	sdelay $0x3  }
0x165: {  	[tilespmem:s13+$0xD0] =	vst v32  }
0x166: {  	s30 =	sadd.s32 $0x2EE0, s14;
	v32 =	vld.idx.msk [tilespmem:v42+s2+$0x0], $0xffff  }
0x167: {  	v43 =	vadd.s32 s30, v0;
	_ =	sdelay $0x3  }
0x168: {  	[tilespmem:s13+$0xE0] =	vst v32  }
0x169: {  	s31 =	sadd.s32 $0x3200, s14;
	v32 =	vld.idx.msk [tilespmem:v43+s2+$0x0], $0xffff  }
0x16a: {  	v44 =	vadd.s32 s31, v0;
	_ =	sdelay $0x3  }
0x16b: {  	[tilespmem:s13+$0xF0] =	vst v32  }
0x16c: {  	s16 =	sadd.s32 $0x3520, s14;
	v32 =	vld.idx.msk [tilespmem:v44+s2+$0x0], $0xffff  }
0x16d: {  	v45 =	vadd.s32 s16, v0;
	_ =	sdelay $0x3  }
0x16e: {  	[tilespmem:s13+$0x100] =	vst v32  }
0x16f: {  	s17 =	sadd.s32 $0x3840, s14;
	v32 =	vld.idx.msk [tilespmem:v45+s2+$0x0], $0xffff  }
0x170: {  	v46 =	vadd.s32 s17, v0;
	_ =	sdelay $0x3  }
0x171: {  	[tilespmem:s13+$0x110] =	vst v32  }
0x172: {  	s18 =	sadd.s32 $0x3B60, s14;
	v32 =	vld.idx.msk [tilespmem:v46+s2+$0x0], $0xffff  }
0x173: {  	v47 =	vadd.s32 s18, v0;
	_ =	sdelay $0x3  }
0x174: {  	[tilespmem:s13+$0x120] =	vst v32  }
0x175: {  	s19 =	sadd.s32 $0x3E80, s14;
	v32 =	vld.idx.msk [tilespmem:v47+s2+$0x0], $0xffff  }
0x176: {  	v48 =	vadd.s32 s19, v0;
	_ =	sdelay $0x3  }
0x177: {  	[tilespmem:s13+$0x130] =	vst v32  }
0x178: {  	s20 =	sadd.s32 $0x41A0, s14;
	v32 =	vld.idx.msk [tilespmem:v48+s2+$0x0], $0xffff  }
0x179: {  	v49 =	vadd.s32 s20, v0;
	_ =	sdelay $0x3  }
0x17a: {  	[tilespmem:s13+$0x140] =	vst v32  }
0x17b: {  	s21 =	sadd.s32 $0x44C0, s14;
	v32 =	vld.idx.msk [tilespmem:v49+s2+$0x0], $0xffff  }
0x17c: {  	v50 =	vadd.s32 s21, v0;
	_ =	sdelay $0x3  }
0x17d: {  	[tilespmem:s13+$0x150] =	vst v32  }
0x17e: {  	s22 =	sadd.s32 $0x47E0, s14;
	v32 =	vld.idx.msk [tilespmem:v50+s2+$0x0], $0xffff  }
0x17f: {  	v51 =	vadd.s32 s22, v0;
	_ =	sdelay $0x3  }
0x180: {  	[tilespmem:s13+$0x160] =	vst v32  }
0x181: {  	s23 =	sadd.s32 $0x4B00, s14;
	v32 =	vld.idx.msk [tilespmem:v51+s2+$0x0], $0xffff  }
0x182: {  	v52 =	vadd.s32 s23, v0;
	_ =	sdelay $0x3  }
0x183: {  	[tilespmem:s13+$0x170] =	vst v32  }
0x184: {  	s24 =	sadd.s32 $0x4E20, s14;
	v32 =	vld.idx.msk [tilespmem:v52+s2+$0x0], $0xffff  }
0x185: {  	v53 =	vadd.s32 s24, v0;
	_ =	sdelay $0x3  }
0x186: {  	[tilespmem:s13+$0x180] =	vst v32  }
0x187: {  	s25 =	sadd.s32 $0x5140, s14;
	v32 =	vld.idx.msk [tilespmem:v53+s2+$0x0], $0xffff  }
0x188: {  	v54 =	vadd.s32 s25, v0;
	_ =	sdelay $0x3  }
0x189: {  	[tilespmem:s13+$0x190] =	vst v32  }
0x18a: {  	s26 =	sadd.s32 $0x5460, s14;
	v32 =	vld.idx.msk [tilespmem:v54+s2+$0x0], $0xffff  }
0x18b: {  	v55 =	vadd.s32 s26, v0;
	_ =	sdelay $0x3  }
0x18c: {  	[tilespmem:s13+$0x1A0] =	vst v32  }
0x18d: {  	s28 =	sadd.s32 $0x5780, s14;
	v32 =	vld.idx.msk [tilespmem:v55+s2+$0x0], $0xffff  }
0x18e: {  	v56 =	vadd.s32 s28, v0;
	_ =	sdelay $0x3  }
0x18f: {  	[tilespmem:s13+$0x1B0] =	vst v32  }
0x190: {  	s29 =	sadd.s32 $0x5AA0, s14;
	v32 =	vld.idx.msk [tilespmem:v56+s2+$0x0], $0xffff  }
0x191: {  	v57 =	vadd.s32 s29, v0;
	_ =	sdelay $0x3  }
0x192: {  	[tilespmem:s13+$0x1C0] =	vst v32  }
0x193: {  	s30 =	sadd.s32 $0x5DC0, s14;
	v32 =	vld.idx.msk [tilespmem:v57+s2+$0x0], $0xffff  }
0x194: {  	v58 =	vadd.s32 s30, v0;
	_ =	sdelay $0x3  }
0x195: {  	[tilespmem:s13+$0x1D0] =	vst v32  }
0x196: {  	s31 =	sadd.s32 $0x60E0, s14;
	v32 =	vld.idx.msk [tilespmem:v58+s2+$0x0], $0xffff  }
0x197: {  	v59 =	vadd.s32 s31, v0;
	_ =	sdelay $0x3  }
0x198: {  	[tilespmem:s13+$0x1E0] =	vst v32  }
0x199: {  	v32 =	vld.idx.msk [tilespmem:v59+s2+$0x0], $0xffff  }
0x19a: {  	s15 =	simm.s32 $0x9  }
0x19b: {  	v60 =	vadd.s32 s15, v0;
	_ =	sdelay $0x2  }
0x19c: {  	[tilespmem:s13+$0x1F0] =	vst v32  }
0x19d: {  	[tilespmem:s10], [sflag:$0x1] =	stream.indirect.gather.add.f32 [hbm:s3], $0x40, s13, s8, $0xb8;
	[tilespmem:$0x14800] =	vst v63  }
0x19e: {  	s16 =	simm.s32 $0x329;
	v32 =	vld.idx.msk [tilespmem:v60+s2+$0x0], $0xffff  }
0x19f: {  	v61 =	vadd.s32 s16, v0;
	_ =	sdelay $0x2  }
0x1a0: {  	s13 =	simm.s32 $0x7600  }
0x1a1: {  	[tilespmem:s13+$0x0] =	vst v32  }
0x1a2: {  	s17 =	simm.s32 $0x649;
	v32 =	vld.idx.msk [tilespmem:v61+s2+$0x0], $0xffff  }
0x1a3: {  	v62 =	vadd.s32 s17, v0;
	_ =	sdelay $0x3  }
0x1a4: {  	[tilespmem:s13+$0x10] =	vst v32  }
0x1a5: {  	s18 =	simm.s32 $0x969;
	v32 =	vld.idx.msk [tilespmem:v62+s2+$0x0], $0xffff  }
0x1a6: {  	v63 =	vadd.s32 s18, v0;
	_ =	sdelay $0x3  }
0x1a7: {  	[tilespmem:s13+$0x20] =	vst v32  }
0x1a8: {  	s19 =	simm.s32 $0xC89;
	v32 =	vld.idx.msk [tilespmem:v63+s2+$0x0], $0xffff  }
0x1a9: {  	v36 =	vadd.s32 s19, v0;
	_ =	sdelay $0x3  }
0x1aa: {  	[tilespmem:s13+$0x30] =	vst v32  }
0x1ab: {  	s20 =	simm.s32 $0xFA9;
	v32 =	vld.idx.msk [tilespmem:v36+s2+$0x0], $0xffff  }
0x1ac: {  	v37 =	vadd.s32 s20, v0;
	_ =	sdelay $0x3  }
0x1ad: {  	[tilespmem:s13+$0x40] =	vst v32  }
0x1ae: {  	s21 =	simm.s32 $0x12C9;
	v32 =	vld.idx.msk [tilespmem:v37+s2+$0x0], $0xffff  }
0x1af: {  	v38 =	vadd.s32 s21, v0;
	_ =	sdelay $0x3  }
0x1b0: {  	[tilespmem:s13+$0x50] =	vst v32  }
0x1b1: {  	s22 =	simm.s32 $0x15E9;
	v32 =	vld.idx.msk [tilespmem:v38+s2+$0x0], $0xffff  }
0x1b2: {  	v39 =	vadd.s32 s22, v0;
	_ =	sdelay $0x3  }
0x1b3: {  	[tilespmem:s13+$0x60] =	vst v32  }
0x1b4: {  	s23 =	simm.s32 $0x1909;
	v32 =	vld.idx.msk [tilespmem:v39+s2+$0x0], $0xffff  }
0x1b5: {  	v40 =	vadd.s32 s23, v0;
	_ =	sdelay $0x3  }
0x1b6: {  	[tilespmem:s13+$0x70] =	vst v32  }
0x1b7: {  	s24 =	simm.s32 $0x1C29;
	v32 =	vld.idx.msk [tilespmem:v40+s2+$0x0], $0xffff  }
0x1b8: {  	v41 =	vadd.s32 s24, v0;
	_ =	sdelay $0x3  }
0x1b9: {  	[tilespmem:s13+$0x80] =	vst v32  }
0x1ba: {  	s25 =	simm.s32 $0x1F49;
	v32 =	vld.idx.msk [tilespmem:v41+s2+$0x0], $0xffff  }
0x1bb: {  	v42 =	vadd.s32 s25, v0;
	_ =	sdelay $0x3  }
0x1bc: {  	[tilespmem:s13+$0x90] =	vst v32  }
0x1bd: {  	s26 =	simm.s32 $0x2269;
	v32 =	vld.idx.msk [tilespmem:v42+s2+$0x0], $0xffff  }
0x1be: {  	v43 =	vadd.s32 s26, v0;
	_ =	sdelay $0x3  }
0x1bf: {  	[tilespmem:s13+$0xA0] =	vst v32  }
0x1c0: {  	s28 =	simm.s32 $0x2589;
	v32 =	vld.idx.msk [tilespmem:v43+s2+$0x0], $0xffff  }
0x1c1: {  	v44 =	vadd.s32 s28, v0;
	_ =	sdelay $0x3  }
0x1c2: {  	[tilespmem:s13+$0xB0] =	vst v32  }
0x1c3: {  	s29 =	simm.s32 $0x28A9;
	v32 =	vld.idx.msk [tilespmem:v44+s2+$0x0], $0xffff  }
0x1c4: {  	v45 =	vadd.s32 s29, v0;
	_ =	sdelay $0x3  }
0x1c5: {  	[tilespmem:s13+$0xC0] =	vst v32  }
0x1c6: {  	s30 =	simm.s32 $0x2BC9;
	v32 =	vld.idx.msk [tilespmem:v45+s2+$0x0], $0xffff  }
0x1c7: {  	v46 =	vadd.s32 s30, v0;
	_ =	sdelay $0x3  }
0x1c8: {  	[tilespmem:s13+$0xD0] =	vst v32  }
0x1c9: {  	s31 =	simm.s32 $0x2EE9;
	v32 =	vld.idx.msk [tilespmem:v46+s2+$0x0], $0xffff  }
0x1ca: {  	v47 =	vadd.s32 s31, v0;
	_ =	sdelay $0x3  }
0x1cb: {  	[tilespmem:s13+$0xE0] =	vst v32  }
0x1cc: {  	s15 =	simm.s32 $0x3209;
	v32 =	vld.idx.msk [tilespmem:v47+s2+$0x0], $0xffff  }
0x1cd: {  	v48 =	vadd.s32 s15, v0;
	_ =	sdelay $0x3  }
0x1ce: {  	[tilespmem:s13+$0xF0] =	vst v32  }
0x1cf: {  	s16 =	simm.s32 $0x3529;
	v32 =	vld.idx.msk [tilespmem:v48+s2+$0x0], $0xffff  }
0x1d0: {  	v49 =	vadd.s32 s16, v0;
	_ =	sdelay $0x3  }
0x1d1: {  	[tilespmem:s13+$0x100] =	vst v32  }
0x1d2: {  	s17 =	simm.s32 $0x3849;
	v32 =	vld.idx.msk [tilespmem:v49+s2+$0x0], $0xffff  }
0x1d3: {  	v50 =	vadd.s32 s17, v0;
	_ =	sdelay $0x3  }
0x1d4: {  	[tilespmem:s13+$0x110] =	vst v32  }
0x1d5: {  	s18 =	simm.s32 $0x3B69;
	v32 =	vld.idx.msk [tilespmem:v50+s2+$0x0], $0xffff  }
0x1d6: {  	v51 =	vadd.s32 s18, v0;
	_ =	sdelay $0x3  }
0x1d7: {  	[tilespmem:s13+$0x120] =	vst v32  }
0x1d8: {  	s19 =	simm.s32 $0x3E89;
	v32 =	vld.idx.msk [tilespmem:v51+s2+$0x0], $0xffff  }
0x1d9: {  	v52 =	vadd.s32 s19, v0;
	_ =	sdelay $0x3  }
0x1da: {  	[tilespmem:s13+$0x130] =	vst v32  }
0x1db: {  	s20 =	simm.s32 $0x41A9;
	v32 =	vld.idx.msk [tilespmem:v52+s2+$0x0], $0xffff  }
0x1dc: {  	v53 =	vadd.s32 s20, v0;
	_ =	sdelay $0x3  }
0x1dd: {  	[tilespmem:s13+$0x140] =	vst v32  }
0x1de: {  	s21 =	simm.s32 $0x44C9;
	v32 =	vld.idx.msk [tilespmem:v53+s2+$0x0], $0xffff  }
0x1df: {  	v54 =	vadd.s32 s21, v0;
	_ =	sdelay $0x3  }
0x1e0: {  	[tilespmem:s13+$0x150] =	vst v32  }
0x1e1: {  	s22 =	simm.s32 $0x47E9;
	v32 =	vld.idx.msk [tilespmem:v54+s2+$0x0], $0xffff  }
0x1e2: {  	v55 =	vadd.s32 s22, v0;
	_ =	sdelay $0x3  }
0x1e3: {  	[tilespmem:s13+$0x160] =	vst v32  }
0x1e4: {  	s23 =	simm.s32 $0x4B09;
	v32 =	vld.idx.msk [tilespmem:v55+s2+$0x0], $0xffff  }
0x1e5: {  	v56 =	vadd.s32 s23, v0;
	_ =	sdelay $0x3  }
0x1e6: {  	[tilespmem:s13+$0x170] =	vst v32  }
0x1e7: {  	s24 =	simm.s32 $0x4E29;
	v32 =	vld.idx.msk [tilespmem:v56+s2+$0x0], $0xffff  }
0x1e8: {  	v57 =	vadd.s32 s24, v0;
	_ =	sdelay $0x3  }
0x1e9: {  	[tilespmem:s13+$0x180] =	vst v32  }
0x1ea: {  	s25 =	simm.s32 $0x5149;
	v32 =	vld.idx.msk [tilespmem:v57+s2+$0x0], $0xffff  }
0x1eb: {  	v58 =	vadd.s32 s25, v0;
	_ =	sdelay $0x3  }
0x1ec: {  	[tilespmem:s13+$0x190] =	vst v32  }
0x1ed: {  	s26 =	simm.s32 $0x5469;
	v32 =	vld.idx.msk [tilespmem:v58+s2+$0x0], $0xffff  }
0x1ee: {  	v59 =	vadd.s32 s26, v0;
	_ =	sdelay $0x3  }
0x1ef: {  	[tilespmem:s13+$0x1A0] =	vst v32  }
0x1f0: {  	s28 =	simm.s32 $0x5789;
	v32 =	vld.idx.msk [tilespmem:v59+s2+$0x0], $0xffff  }
0x1f1: {  	v60 =	vadd.s32 s28, v0;
	_ =	sdelay $0x3  }
0x1f2: {  	[tilespmem:s13+$0x1B0] =	vst v32  }
0x1f3: {  	s29 =	simm.s32 $0x5AA9;
	v32 =	vld.idx.msk [tilespmem:v60+s2+$0x0], $0xffff  }
0x1f4: {  	v61 =	vadd.s32 s29, v0;
	_ =	sdelay $0x3  }
0x1f5: {  	[tilespmem:s13+$0x1C0] =	vst v32  }
0x1f6: {  	s30 =	simm.s32 $0x5DC9;
	v32 =	vld.idx.msk [tilespmem:v61+s2+$0x0], $0xffff  }
0x1f7: {  	v62 =	vadd.s32 s30, v0;
	_ =	sdelay $0x3  }
0x1f8: {  	[tilespmem:s13+$0x1D0] =	vst v32  }
0x1f9: {  	s31 =	simm.s32 $0x60E9;
	v32 =	vld.idx.msk [tilespmem:v62+s2+$0x0], $0xffff  }
0x1fa: {  	v63 =	vadd.s32 s31, v0;
	_ =	sdelay $0x3  }
0x1fb: {  	[tilespmem:s13+$0x1E0] =	vst v32  }
0x1fc: {  	v32 =	vld.idx.msk [tilespmem:v63+s2+$0x0], $0xffff;
	_ =	sdelay $0x4  }
0x1fd: {  	s14 =	simm.s32 $0xA;
	[tilespmem:s13+$0x1F0] =	vst v32  }
0x1fe: {  	v32 =	vadd.s32 s14, v0;
	[tilespmem:s10], [sflag:$0x1] =	stream.indirect.gather.add.f32 [hbm:s3], $0x40, s13, s8, $0xb8;
	[tilespmem:$0x14800] =	vst v63  }
0x1ff: {  	_ =	swait.ge [sflag:s11], $0x8000  }
0x200: {  	s17 =	simm.s32 $0xB;
	[sflag:s11] =	ssyncset.done $0x0  }
.LBB2_4:
0x201: {  	[sflag:s11] =	ssyncadd.s32 $0xFFFF8000  }
0x202: {  	s13 =	sadd.s32 $0x200, s13;
	s16 =	smov.u32 s17;
	s15 =	sadd.s32 $0x1, s17  }
0x203: {  	p0 =	sne.s32 s17, $0x31;
	v32 =	vld.idx.msk [tilespmem:v32+s2+$0x0], $0xffff  }
0x204: {  	s17 =	sadd.s32 $0x320, s14  }
0x205: {  	v33 =	vadd.s32 s17, v0;
	_ =	sdelay $0x3  }
0x206: {  	[tilespmem:s13+$0x0] =	vst v32  }
0x207: {  	v32 =	vld.idx.msk [tilespmem:v33+s2+$0x0], $0xffff  }
0x208: {  	s17 =	sadd.s32 $0x640, s14  }
0x209: {  	v33 =	vadd.s32 s17, v0;
	_ =	sdelay $0x3  }
0x20a: {  	[tilespmem:s13+$0x10] =	vst v32  }
0x20b: {  	v32 =	vld.idx.msk [tilespmem:v33+s2+$0x0], $0xffff  }
0x20c: {  	s17 =	sadd.s32 $0x960, s14  }
0x20d: {  	v33 =	vadd.s32 s17, v0;
	_ =	sdelay $0x3  }
0x20e: {  	[tilespmem:s13+$0x20] =	vst v32  }
0x20f: {  	v32 =	vld.idx.msk [tilespmem:v33+s2+$0x0], $0xffff  }
0x210: {  	s17 =	sadd.s32 $0xC80, s14  }
0x211: {  	v33 =	vadd.s32 s17, v0;
	_ =	sdelay $0x3  }
0x212: {  	[tilespmem:s13+$0x30] =	vst v32  }
0x213: {  	v32 =	vld.idx.msk [tilespmem:v33+s2+$0x0], $0xffff  }
0x214: {  	s17 =	sadd.s32 $0xFA0, s14  }
0x215: {  	v33 =	vadd.s32 s17, v0;
	_ =	sdelay $0x3  }
0x216: {  	[tilespmem:s13+$0x40] =	vst v32  }
0x217: {  	v32 =	vld.idx.msk [tilespmem:v33+s2+$0x0], $0xffff  }
0x218: {  	s17 =	sadd.s32 $0x12C0, s14  }
0x219: {  	v33 =	vadd.s32 s17, v0;
	_ =	sdelay $0x3  }
0x21a: {  	[tilespmem:s13+$0x50] =	vst v32  }
0x21b: {  	v32 =	vld.idx.msk [tilespmem:v33+s2+$0x0], $0xffff  }
0x21c: {  	s17 =	sadd.s32 $0x15E0, s14  }
0x21d: {  	v33 =	vadd.s32 s17, v0;
	_ =	sdelay $0x3  }
0x21e: {  	[tilespmem:s13+$0x60] =	vst v32  }
0x21f: {  	v32 =	vld.idx.msk [tilespmem:v33+s2+$0x0], $0xffff  }
0x220: {  	s17 =	sadd.s32 $0x1900, s14  }
0x221: {  	v33 =	vadd.s32 s17, v0;
	_ =	sdelay $0x3  }
0x222: {  	[tilespmem:s13+$0x70] =	vst v32  }
0x223: {  	v32 =	vld.idx.msk [tilespmem:v33+s2+$0x0], $0xffff  }
0x224: {  	s17 =	sadd.s32 $0x1C20, s14  }
0x225: {  	v33 =	vadd.s32 s17, v0;
	_ =	sdelay $0x3  }
0x226: {  	[tilespmem:s13+$0x80] =	vst v32  }
0x227: {  	v32 =	vld.idx.msk [tilespmem:v33+s2+$0x0], $0xffff  }
0x228: {  	s17 =	sadd.s32 $0x1F40, s14  }
0x229: {  	v33 =	vadd.s32 s17, v0;
	_ =	sdelay $0x3  }
0x22a: {  	[tilespmem:s13+$0x90] =	vst v32  }
0x22b: {  	v32 =	vld.idx.msk [tilespmem:v33+s2+$0x0], $0xffff  }
0x22c: {  	s17 =	sadd.s32 $0x2260, s14  }
0x22d: {  	v33 =	vadd.s32 s17, v0;
	_ =	sdelay $0x3  }
0x22e: {  	[tilespmem:s13+$0xA0] =	vst v32  }
0x22f: {  	v32 =	vld.idx.msk [tilespmem:v33+s2+$0x0], $0xffff  }
0x230: {  	s17 =	sadd.s32 $0x2580, s14  }
0x231: {  	v33 =	vadd.s32 s17, v0;
	_ =	sdelay $0x3  }
0x232: {  	[tilespmem:s13+$0xB0] =	vst v32  }
0x233: {  	v32 =	vld.idx.msk [tilespmem:v33+s2+$0x0], $0xffff  }
0x234: {  	s17 =	sadd.s32 $0x28A0, s14  }
0x235: {  	v33 =	vadd.s32 s17, v0;
	_ =	sdelay $0x3  }
0x236: {  	[tilespmem:s13+$0xC0] =	vst v32  }
0x237: {  	v32 =	vld.idx.msk [tilespmem:v33+s2+$0x0], $0xffff  }
0x238: {  	s17 =	sadd.s32 $0x2BC0, s14  }
0x239: {  	v33 =	vadd.s32 s17, v0;
	_ =	sdelay $0x3  }
0x23a: {  	[tilespmem:s13+$0xD0] =	vst v32  }
0x23b: {  	v32 =	vld.idx.msk [tilespmem:v33+s2+$0x0], $0xffff  }
0x23c: {  	s17 =	sadd.s32 $0x2EE0, s14  }
0x23d: {  	v33 =	vadd.s32 s17, v0;
	_ =	sdelay $0x3  }
0x23e: {  	[tilespmem:s13+$0xE0] =	vst v32  }
0x23f: {  	v32 =	vld.idx.msk [tilespmem:v33+s2+$0x0], $0xffff  }
0x240: {  	s17 =	sadd.s32 $0x3200, s14  }
0x241: {  	v33 =	vadd.s32 s17, v0;
	_ =	sdelay $0x3  }
0x242: {  	[tilespmem:s13+$0xF0] =	vst v32  }
0x243: {  	v32 =	vld.idx.msk [tilespmem:v33+s2+$0x0], $0xffff  }
0x244: {  	s17 =	sadd.s32 $0x3520, s14  }
0x245: {  	v33 =	vadd.s32 s17, v0;
	_ =	sdelay $0x3  }
0x246: {  	[tilespmem:s13+$0x100] =	vst v32  }
0x247: {  	v32 =	vld.idx.msk [tilespmem:v33+s2+$0x0], $0xffff  }
0x248: {  	s17 =	sadd.s32 $0x3840, s14  }
0x249: {  	v33 =	vadd.s32 s17, v0;
	_ =	sdelay $0x3  }
0x24a: {  	[tilespmem:s13+$0x110] =	vst v32  }
0x24b: {  	v32 =	vld.idx.msk [tilespmem:v33+s2+$0x0], $0xffff  }
0x24c: {  	s17 =	sadd.s32 $0x3B60, s14  }
0x24d: {  	v33 =	vadd.s32 s17, v0;
	_ =	sdelay $0x3  }
0x24e: {  	[tilespmem:s13+$0x120] =	vst v32  }
0x24f: {  	v32 =	vld.idx.msk [tilespmem:v33+s2+$0x0], $0xffff  }
0x250: {  	s17 =	sadd.s32 $0x3E80, s14  }
0x251: {  	v33 =	vadd.s32 s17, v0;
	_ =	sdelay $0x3  }
0x252: {  	[tilespmem:s13+$0x130] =	vst v32  }
0x253: {  	v32 =	vld.idx.msk [tilespmem:v33+s2+$0x0], $0xffff  }
0x254: {  	s17 =	sadd.s32 $0x41A0, s14  }
0x255: {  	v33 =	vadd.s32 s17, v0;
	_ =	sdelay $0x3  }
0x256: {  	[tilespmem:s13+$0x140] =	vst v32  }
0x257: {  	v32 =	vld.idx.msk [tilespmem:v33+s2+$0x0], $0xffff  }
0x258: {  	s17 =	sadd.s32 $0x44C0, s14  }
0x259: {  	v33 =	vadd.s32 s17, v0;
	_ =	sdelay $0x3  }
0x25a: {  	[tilespmem:s13+$0x150] =	vst v32  }
0x25b: {  	v32 =	vld.idx.msk [tilespmem:v33+s2+$0x0], $0xffff  }
0x25c: {  	s17 =	sadd.s32 $0x47E0, s14  }
0x25d: {  	v33 =	vadd.s32 s17, v0;
	_ =	sdelay $0x3  }
0x25e: {  	[tilespmem:s13+$0x160] =	vst v32  }
0x25f: {  	v32 =	vld.idx.msk [tilespmem:v33+s2+$0x0], $0xffff  }
0x260: {  	s17 =	sadd.s32 $0x4B00, s14  }
0x261: {  	v33 =	vadd.s32 s17, v0;
	_ =	sdelay $0x3  }
0x262: {  	[tilespmem:s13+$0x170] =	vst v32  }
0x263: {  	v32 =	vld.idx.msk [tilespmem:v33+s2+$0x0], $0xffff  }
0x264: {  	s17 =	sadd.s32 $0x4E20, s14  }
0x265: {  	v33 =	vadd.s32 s17, v0;
	_ =	sdelay $0x3  }
0x266: {  	[tilespmem:s13+$0x180] =	vst v32  }
0x267: {  	v32 =	vld.idx.msk [tilespmem:v33+s2+$0x0], $0xffff  }
0x268: {  	s17 =	sadd.s32 $0x5140, s14  }
0x269: {  	v33 =	vadd.s32 s17, v0;
	_ =	sdelay $0x3  }
0x26a: {  	[tilespmem:s13+$0x190] =	vst v32  }
0x26b: {  	v32 =	vld.idx.msk [tilespmem:v33+s2+$0x0], $0xffff  }
0x26c: {  	s17 =	sadd.s32 $0x5460, s14  }
0x26d: {  	v33 =	vadd.s32 s17, v0;
	_ =	sdelay $0x3  }
0x26e: {  	[tilespmem:s13+$0x1A0] =	vst v32  }
0x26f: {  	v32 =	vld.idx.msk [tilespmem:v33+s2+$0x0], $0xffff  }
0x270: {  	s17 =	sadd.s32 $0x5780, s14  }
0x271: {  	v33 =	vadd.s32 s17, v0;
	_ =	sdelay $0x3  }
0x272: {  	[tilespmem:s13+$0x1B0] =	vst v32  }
0x273: {  	v32 =	vld.idx.msk [tilespmem:v33+s2+$0x0], $0xffff  }
0x274: {  	s17 =	sadd.s32 $0x5AA0, s14  }
0x275: {  	v33 =	vadd.s32 s17, v0;
	_ =	sdelay $0x3  }
0x276: {  	[tilespmem:s13+$0x1C0] =	vst v32  }
0x277: {  	v32 =	vld.idx.msk [tilespmem:v33+s2+$0x0], $0xffff  }
0x278: {  	s17 =	sadd.s32 $0x5DC0, s14  }
0x279: {  	v33 =	vadd.s32 s17, v0;
	_ =	sdelay $0x3  }
0x27a: {  	[tilespmem:s13+$0x1D0] =	vst v32  }
0x27b: {  	v32 =	vld.idx.msk [tilespmem:v33+s2+$0x0], $0xffff  }
0x27c: {  	s17 =	sadd.s32 $0x60E0, s14;
	s14 =	smov.u32 s16  }
0x27d: {  	v33 =	vadd.s32 s17, v0;
	_ =	sdelay $0x3  }
0x27e: {  	[tilespmem:s13+$0x1E0] =	vst v32  }
0x27f: {  	v33 =	vld.idx.msk [tilespmem:v33+s2+$0x0], $0xffff;
	_ =	sdelay $0x4  }
.Ltmp1:
0x280: {  	(pc) =	sbr.rel @p0 .LBB2_4-.Ltmp1, $4  }
0x281: {  	v32 =	vadd.s32 s14, v0;
	[tilespmem:s13+$0x1F0] =	vst v33  }
0x282: {  	[tilespmem:s10], [sflag:$0x1] =	stream.indirect.gather.add.f32 [hbm:s3], $0x40, s13, s8, $0xb8;
	[tilespmem:$0x14800] =	vst v63  }
0x283: {  	_ =	swait.ge [sflag:s11], $0x8000  }
0x284: {  	s17 =	smov.u32 s15;
	[sflag:s11] =	ssyncset.done $0x0  }
0x285: {  	_ =	sdelay $0x2  }
0x286: {  	[sflag:s11] =	ssyncadd.s32 $0xFFFF8000  }
0x287: {  	s15 =	sadd.s32 $0x320, s14;
	v32 =	vld.idx.msk [tilespmem:v32+s2+$0x0], $0xffff  }
0x288: {  	v33 =	vadd.s32 s15, v0;
	_ =	sdelay $0x2  }
0x289: {  	s13 =	sadd.s32 $0x200, s13  }
0x28a: {  	[tilespmem:s13+$0x0] =	vst v32  }
0x28b: {  	s16 =	sadd.s32 $0x640, s14;
	v32 =	vld.idx.msk [tilespmem:v33+s2+$0x0], $0xffff  }
0x28c: {  	v62 =	vadd.s32 s16, v0;
	_ =	sdelay $0x3  }
0x28d: {  	[tilespmem:s13+$0x10] =	vst v32  }
0x28e: {  	s17 =	sadd.s32 $0x960, s14;
	v32 =	vld.idx.msk [tilespmem:v62+s2+$0x0], $0xffff  }
0x28f: {  	v63 =	vadd.s32 s17, v0;
	_ =	sdelay $0x3  }
0x290: {  	[tilespmem:s13+$0x20] =	vst v32  }
0x291: {  	s18 =	sadd.s32 $0xC80, s14;
	v32 =	vld.idx.msk [tilespmem:v63+s2+$0x0], $0xffff  }
0x292: {  	v36 =	vadd.s32 s18, v0;
	_ =	sdelay $0x3  }
0x293: {  	[tilespmem:s13+$0x30] =	vst v32  }
0x294: {  	s19 =	sadd.s32 $0xFA0, s14;
	v32 =	vld.idx.msk [tilespmem:v36+s2+$0x0], $0xffff  }
0x295: {  	v37 =	vadd.s32 s19, v0;
	_ =	sdelay $0x3  }
0x296: {  	[tilespmem:s13+$0x40] =	vst v32  }
0x297: {  	s20 =	sadd.s32 $0x12C0, s14;
	v32 =	vld.idx.msk [tilespmem:v37+s2+$0x0], $0xffff  }
0x298: {  	v38 =	vadd.s32 s20, v0;
	_ =	sdelay $0x3  }
0x299: {  	[tilespmem:s13+$0x50] =	vst v32  }
0x29a: {  	s21 =	sadd.s32 $0x15E0, s14;
	v32 =	vld.idx.msk [tilespmem:v38+s2+$0x0], $0xffff  }
0x29b: {  	v39 =	vadd.s32 s21, v0;
	_ =	sdelay $0x3  }
0x29c: {  	[tilespmem:s13+$0x60] =	vst v32  }
0x29d: {  	s22 =	sadd.s32 $0x1900, s14;
	v32 =	vld.idx.msk [tilespmem:v39+s2+$0x0], $0xffff  }
0x29e: {  	v40 =	vadd.s32 s22, v0;
	_ =	sdelay $0x3  }
0x29f: {  	[tilespmem:s13+$0x70] =	vst v32  }
0x2a0: {  	s23 =	sadd.s32 $0x1C20, s14;
	v32 =	vld.idx.msk [tilespmem:v40+s2+$0x0], $0xffff  }
0x2a1: {  	v41 =	vadd.s32 s23, v0;
	_ =	sdelay $0x3  }
0x2a2: {  	[tilespmem:s13+$0x80] =	vst v32  }
0x2a3: {  	s24 =	sadd.s32 $0x1F40, s14;
	v32 =	vld.idx.msk [tilespmem:v41+s2+$0x0], $0xffff  }
0x2a4: {  	v42 =	vadd.s32 s24, v0;
	_ =	sdelay $0x3  }
0x2a5: {  	[tilespmem:s13+$0x90] =	vst v32  }
0x2a6: {  	s25 =	sadd.s32 $0x2260, s14;
	v32 =	vld.idx.msk [tilespmem:v42+s2+$0x0], $0xffff  }
0x2a7: {  	v43 =	vadd.s32 s25, v0;
	_ =	sdelay $0x3  }
0x2a8: {  	[tilespmem:s13+$0xA0] =	vst v32  }
0x2a9: {  	s26 =	sadd.s32 $0x2580, s14;
	v32 =	vld.idx.msk [tilespmem:v43+s2+$0x0], $0xffff  }
0x2aa: {  	v44 =	vadd.s32 s26, v0;
	_ =	sdelay $0x3  }
0x2ab: {  	[tilespmem:s13+$0xB0] =	vst v32  }
0x2ac: {  	s28 =	sadd.s32 $0x28A0, s14;
	v32 =	vld.idx.msk [tilespmem:v44+s2+$0x0], $0xffff  }
0x2ad: {  	v45 =	vadd.s32 s28, v0;
	_ =	sdelay $0x3  }
0x2ae: {  	[tilespmem:s13+$0xC0] =	vst v32  }
0x2af: {  	s29 =	sadd.s32 $0x2BC0, s14;
	v32 =	vld.idx.msk [tilespmem:v45+s2+$0x0], $0xffff  }
0x2b0: {  	v46 =	vadd.s32 s29, v0;
	_ =	sdelay $0x3  }
0x2b1: {  	[tilespmem:s13+$0xD0] =	vst v32  }
0x2b2: {  	s30 =	sadd.s32 $0x2EE0, s14;
	v32 =	vld.idx.msk [tilespmem:v46+s2+$0x0], $0xffff  }
0x2b3: {  	v47 =	vadd.s32 s30, v0;
	_ =	sdelay $0x3  }
0x2b4: {  	[tilespmem:s13+$0xE0] =	vst v32  }
0x2b5: {  	s31 =	sadd.s32 $0x3200, s14;
	v32 =	vld.idx.msk [tilespmem:v47+s2+$0x0], $0xffff  }
0x2b6: {  	v48 =	vadd.s32 s31, v0;
	_ =	sdelay $0x3  }
0x2b7: {  	[tilespmem:s13+$0xF0] =	vst v32  }
0x2b8: {  	s16 =	sadd.s32 $0x3520, s14;
	v32 =	vld.idx.msk [tilespmem:v48+s2+$0x0], $0xffff  }
0x2b9: {  	v49 =	vadd.s32 s16, v0;
	_ =	sdelay $0x3  }
0x2ba: {  	[tilespmem:s13+$0x100] =	vst v32  }
0x2bb: {  	s17 =	sadd.s32 $0x3840, s14;
	v32 =	vld.idx.msk [tilespmem:v49+s2+$0x0], $0xffff  }
0x2bc: {  	v50 =	vadd.s32 s17, v0;
	_ =	sdelay $0x3  }
0x2bd: {  	[tilespmem:s13+$0x110] =	vst v32  }
0x2be: {  	s18 =	sadd.s32 $0x3B60, s14;
	v32 =	vld.idx.msk [tilespmem:v50+s2+$0x0], $0xffff  }
0x2bf: {  	v51 =	vadd.s32 s18, v0;
	_ =	sdelay $0x3  }
0x2c0: {  	[tilespmem:s13+$0x120] =	vst v32  }
0x2c1: {  	s19 =	sadd.s32 $0x3E80, s14;
	v32 =	vld.idx.msk [tilespmem:v51+s2+$0x0], $0xffff  }
0x2c2: {  	v52 =	vadd.s32 s19, v0;
	_ =	sdelay $0x3  }
0x2c3: {  	[tilespmem:s13+$0x130] =	vst v32  }
0x2c4: {  	s20 =	sadd.s32 $0x41A0, s14;
	v32 =	vld.idx.msk [tilespmem:v52+s2+$0x0], $0xffff  }
0x2c5: {  	v53 =	vadd.s32 s20, v0;
	_ =	sdelay $0x3  }
0x2c6: {  	[tilespmem:s13+$0x140] =	vst v32  }
0x2c7: {  	s21 =	sadd.s32 $0x44C0, s14;
	v32 =	vld.idx.msk [tilespmem:v53+s2+$0x0], $0xffff  }
0x2c8: {  	v54 =	vadd.s32 s21, v0;
	_ =	sdelay $0x3  }
0x2c9: {  	[tilespmem:s13+$0x150] =	vst v32  }
0x2ca: {  	s22 =	sadd.s32 $0x47E0, s14;
	v32 =	vld.idx.msk [tilespmem:v54+s2+$0x0], $0xffff  }
0x2cb: {  	v55 =	vadd.s32 s22, v0;
	_ =	sdelay $0x3  }
0x2cc: {  	[tilespmem:s13+$0x160] =	vst v32  }
0x2cd: {  	s23 =	sadd.s32 $0x4B00, s14;
	v32 =	vld.idx.msk [tilespmem:v55+s2+$0x0], $0xffff  }
0x2ce: {  	v56 =	vadd.s32 s23, v0;
	_ =	sdelay $0x3  }
0x2cf: {  	[tilespmem:s13+$0x170] =	vst v32  }
0x2d0: {  	s24 =	sadd.s32 $0x4E20, s14;
	v32 =	vld.idx.msk [tilespmem:v56+s2+$0x0], $0xffff  }
0x2d1: {  	v57 =	vadd.s32 s24, v0;
	_ =	sdelay $0x3  }
0x2d2: {  	[tilespmem:s13+$0x180] =	vst v32  }
0x2d3: {  	s25 =	sadd.s32 $0x5140, s14;
	v32 =	vld.idx.msk [tilespmem:v57+s2+$0x0], $0xffff  }
0x2d4: {  	v58 =	vadd.s32 s25, v0;
	_ =	sdelay $0x3  }
0x2d5: {  	[tilespmem:s13+$0x190] =	vst v32  }
0x2d6: {  	s26 =	sadd.s32 $0x5460, s14;
	v32 =	vld.idx.msk [tilespmem:v58+s2+$0x0], $0xffff  }
0x2d7: {  	v59 =	vadd.s32 s26, v0;
	_ =	sdelay $0x3  }
0x2d8: {  	[tilespmem:s13+$0x1A0] =	vst v32  }
0x2d9: {  	s28 =	sadd.s32 $0x5780, s14;
	v32 =	vld.idx.msk [tilespmem:v59+s2+$0x0], $0xffff  }
0x2da: {  	v60 =	vadd.s32 s28, v0;
	_ =	sdelay $0x3  }
0x2db: {  	[tilespmem:s13+$0x1B0] =	vst v32  }
0x2dc: {  	s29 =	sadd.s32 $0x5AA0, s14;
	v32 =	vld.idx.msk [tilespmem:v60+s2+$0x0], $0xffff  }
0x2dd: {  	v61 =	vadd.s32 s29, v0;
	_ =	sdelay $0x3  }
0x2de: {  	[tilespmem:s13+$0x1C0] =	vst v32  }
0x2df: {  	s30 =	sadd.s32 $0x5DC0, s14;
	v32 =	vld.idx.msk [tilespmem:v61+s2+$0x0], $0xffff  }
0x2e0: {  	v62 =	vadd.s32 s30, v0;
	_ =	sdelay $0x3  }
0x2e1: {  	[tilespmem:s13+$0x1D0] =	vst v32  }
0x2e2: {  	s31 =	sadd.s32 $0x60E0, s14;
	v32 =	vld.idx.msk [tilespmem:v62+s2+$0x0], $0xffff  }
0x2e3: {  	v63 =	vadd.s32 s31, v0;
	_ =	sdelay $0x3  }
0x2e4: {  	[tilespmem:s13+$0x1E0] =	vst v32  }
0x2e5: {  	v32 =	vld.idx.msk [tilespmem:v63+s2+$0x0], $0xffff;
	_ =	sdelay $0x4  }
0x2e6: {  	[tilespmem:s13+$0x1F0] =	vst v32  }
0x2e7: {  	[tilespmem:s10], [sflag:$0x1] =	stream.indirect.gather.add.f32 [hbm:s3], $0x40, s13, s8, $0xb8;
	[tilespmem:$0x14800] =	vst v63  }
0x2e8: {  	_ =	swait.ge [sflag:s11], $0x8000  }
0x2e9: {  	[sflag:s11] =	ssyncset.done $0x0  }
0x2ea: {  	[sflag:s11] =	ssyncadd.s32 $0xFFFF8000  }
0x2eb: {  	_ =	swait.ge [sflag:s11], $0x8000  }
0x2ec: {  	[sflag:s11] =	ssyncset.done $0x0  }
0x2ed: {  	[sflag:s11] =	ssyncadd.s32 $0xFFFF8000  }
0x2ee: {  	_ =	swait.ge [sflag:s11], $0x8000  }
0x2ef: {  	[sflag:s11] =	ssyncset.done $0x0  }
0x2f0: {  	[sflag:s11] =	ssyncadd.s32 $0xFFFF8000  }
0x2f1: {  	_ =	swait.ge [sflag:s11], $0x8000  }
0x2f2: {  	[sflag:s11] =	ssyncset.done $0x0  }
0x2f3: {  	[sflag:s11] =	ssyncadd.s32 $0xFFFF8000  }
0x2f4: {  	_ =	swait.ge [sflag:s11], $0x8000  }
0x2f5: {  	[sflag:s11] =	ssyncset.done $0x0  }
0x2f6: {  	[sflag:s11] =	ssyncadd.s32 $0xFFFF8000  }
0x2f7: {  	_ =	swait.ge [sflag:s11], $0x8000  }
0x2f8: {  	[sflag:s11] =	ssyncset.done $0x0  }
0x2f9: {  	[sflag:s11] =	ssyncadd.s32 $0xFFFF8000  }
0x2fa: {  	_ =	swait.ge [sflag:s11], $0x8000  }
0x2fb: {  	[sflag:s11] =	ssyncset.done $0x0  }
0x2fc: {  	[sflag:s11] =	ssyncadd.s32 $0xFFFF8000  }
0x2fd: {  	_ =	swait.ge [sflag:s11], $0x8000  }
0x2fe: {  	[sflag:s11] =	ssyncset.done $0x0  }
0x2ff: {  	[sflag:s11] =	ssyncadd.s32 $0xFFFF8000  }
0x300: {  	s12 =	sadd.s32 $0x1, s12;
	_ =	swait.ge [sflag:s11], $0x8000  }
0x301: {  	p0 =	sne.s32 s12, s6;
	[sflag:s11] =	ssyncset.done $0x0  }
.Ltmp2:
0x302: {  	[sflag:s11] =	ssyncadd.s32 $0xFFFF8000;
	(pc) =	sbr.rel @p0 .LBB2_1-.Ltmp2, $4  }
0x303: {  	[hbm4b:s5+s2] =	stream.linear.scatter [tilespmem:s10], [sflag:$0x2], $0x8000, $0x38;
	[tilespmem:$0x14800] =	vst v63  }
0x304: {  	_ =	swait.ge [sflag:s7], $0x8000  }
0x305: {  	[sflag:s7] =	ssyncset.done $0x0  }
0x306: {  	[sflag:s7] =	ssyncadd.s32 $0xFFFF8000  }
0x307: {  	_ =	sfence.sel $0x180000  }
0x308: {  	[bflag:$0x0] =	sbarrier.arrive $0xFFFF  }
0x309: {  	p0 =	sne.s32 s0, $0x0;
	_ =	strace $0x90000047  }
0x30a: {  	s0 =	sadd.s32 @!p0 $0x100000, s1;
	[bflag:$0x2] =	sbarrier.arrive $0xFFFF  }
0x30b: {  	[sflag:s0] =	ssyncadd.tile.s32 @!p0 $0x1;
	_ =	shalt  }
.Lfunc_end2:
_tile_overlayer_lowered:
.L_overlay_start_2:
0x30c: {  	(tag) =	ssettag $0x2  }
0x30d: {  	s0 =	rddreg [dreg:$0x0];
	s2 =	stileid.u32  }
0x30e: {  	s1 =	rddreg [dreg:$0x1];
	p0 =	sne.s32 s2, $0x0  }
0x30f: {  	s3 =	rddreg [dreg:$0x2];
	[bflag:$0x3] =	sbarrier.arrive $0xFFFF;
	s2 =	simm.s32 @!p0 $0x1C02  }
0x310: {  	[timem:s3], [sflag:s2] =	dma.local @!p0 [hbm:s0], s1  }
0x311: {  	s0 =	simm.s32 @!p0 $0x2  }
0x312: {  	_ =	swait.ge @!p0 [sflag:s0], s1  }
0x313: {  	s1 =	ssub.s32 @!p0 $0x0, s1;
	[sflag:s0] =	ssyncset.done @!p0 $0x0  }
0x314: {  	[sflag:s0] =	ssyncadd.s32 @!p0 s1  }
0x315: {  	[bflag:$0x3] =	sbarrier.arrive $0xFFFF  }
0x316: {  	_ =	shalt  }

</sc_bundles>
